<compile_context>
chip_gen: v7x
topology: tpu7x:2x2x1
jax: 0.10.2.dev20260603
libtpu: 0.0.44.dev20260713+nightly
codegen_flags: <defaults>
</compile_context>

<pallas_src>
import functools

import jax
import jax.numpy as jnp
from jax import lax
from jax.experimental import pallas as pl
from jax.experimental.pallas import tpu as pltpu
from jax.experimental.pallas import tpu_sc as plsc

VOCAB = 110000
EMB = 64
H = 128
NCLS = 20
B = 1024
L = 200

NSEG = 2
LSEG = L // NSEG
SEGTOT = B * LSEG
NW = 32
CH = 128
NCH = SEGTOT // (NW * CH)
NCHP = 32

BM = 5000
NMC = VOCAB // BM

LT = 10
NLC = LSEG // LT


def _proj_body(e_ref, w_ref, b_ref, p_ref):
    p_ref[...] = (
        jnp.dot(e_ref[...], w_ref[...], preferred_element_type=jnp.float32)
        + b_ref[...])


_proj_call = pl.pallas_call(
    _proj_body,
    grid=(NMC,),
    in_specs=[
        pl.BlockSpec((BM, EMB), lambda i: (i, 0)),
        pl.BlockSpec((EMB, H), lambda i: (0, 0)),
        pl.BlockSpec((1, H), lambda i: (0, 0)),
    ],
    out_specs=pl.BlockSpec((BM, H), lambda i: (i, 0)),
    out_shape=jax.ShapeDtypeStruct((VOCAB, H), jnp.float32),
)


def _sc_gather_body(table_hbm, idx_hbm, out_hbm,
                    idx_v, rows_0, rows_1, sem_0, sem_1):
    wid = lax.axis_index("s") * 2 + lax.axis_index("c")
    pltpu.sync_copy(idx_hbm.at[wid], idx_v)
    base = wid * NCH

    def fire(j, buf, sem):
        return pltpu.async_copy(table_hbm.at[idx_v.at[j]], buf, sem)

    def drain_scatter(j, buf, sem):
        pltpu.make_async_copy(table_hbm.at[idx_v.at[0]], buf, sem).wait()
        pltpu.sync_copy(buf, out_hbm.at[pl.ds((base + j) * CH, CH)])

    fire(0, rows_0, sem_0)

    def body(i, _):
        a = 2 * i
        fire(a + 1, rows_1, sem_1)
        drain_scatter(a, rows_0, sem_0)
        fire(a + 2, rows_0, sem_0)
        drain_scatter(a + 1, rows_1, sem_1)
        return 0

    lax.fori_loop(0, NCH // 2, body, 0)
    drain_scatter(NCH - 1, rows_0, sem_0)


@functools.cache
def _sc_gather():
    return pl.kernel(
        _sc_gather_body,
        out_type=jax.ShapeDtypeStruct((SEGTOT, H), jnp.float32),
        mesh=plsc.VectorSubcoreMesh(core_axis_name="c", subcore_axis_name="s"),
        scratch_types=[
            pltpu.VMEM((NCHP, CH), jnp.int32),
            pltpu.VMEM((CH, H), jnp.float32),
            pltpu.VMEM((CH, H), jnp.float32),
            pltpu.SemaphoreType.DMA,
            pltpu.SemaphoreType.DMA,
        ],
        compiler_params=pltpu.CompilerParams(use_tc_tiling_on_sc=False),
    )


def _rnn_body(xp1_ref, h1in_ref, h2in_ref, wh1_ref, w2_ref, wh2_ref, fct_ref,
              b2_ref, fcb_ref, out_ref, h1out_ref, h2out_ref,
              h1_ref, h2_ref):
    lc = pl.program_id(0)

    @pl.when(lc == 0)
    def _():
        h1_ref[...] = h1in_ref[...]
        h2_ref[...] = h2in_ref[...]

    h1 = h1_ref[...]
    h2 = h2_ref[...]
    b2 = b2_ref[...]
    for t in range(LT):
        h1 = jnp.tanh(
            xp1_ref[t * B:(t + 1) * B]
            + jnp.dot(h1, wh1_ref[...], preferred_element_type=jnp.float32))
        h2 = jnp.tanh(
            jnp.dot(h1, w2_ref[...], preferred_element_type=jnp.float32)
            + b2
            + jnp.dot(h2, wh2_ref[...], preferred_element_type=jnp.float32))
    h1_ref[...] = h1
    h2_ref[...] = h2

    @pl.when(lc == NLC - 1)
    def _():
        h1out_ref[...] = h1
        h2out_ref[...] = h2
        out_ref[...] = (
            jnp.dot(h2, fct_ref[...], preferred_element_type=jnp.float32)
            + fcb_ref[...])


_rnn_call = pl.pallas_call(
    _rnn_body,
    grid=(NLC,),
    in_specs=[
        pl.BlockSpec((LT * B, H), lambda l: (l, 0)),
        pl.BlockSpec((B, H), lambda l: (0, 0)),
        pl.BlockSpec((B, H), lambda l: (0, 0)),
        pl.BlockSpec((H, H), lambda l: (0, 0)),
        pl.BlockSpec((H, H), lambda l: (0, 0)),
        pl.BlockSpec((H, H), lambda l: (0, 0)),
        pl.BlockSpec((H, NCLS), lambda l: (0, 0)),
        pl.BlockSpec((1, H), lambda l: (0, 0)),
        pl.BlockSpec((1, NCLS), lambda l: (0, 0)),
    ],
    out_specs=[
        pl.BlockSpec((B, NCLS), lambda l: (0, 0)),
        pl.BlockSpec((B, H), lambda l: (0, 0)),
        pl.BlockSpec((B, H), lambda l: (0, 0)),
    ],
    out_shape=[
        jax.ShapeDtypeStruct((B, NCLS), jnp.float32),
        jax.ShapeDtypeStruct((B, H), jnp.float32),
        jax.ShapeDtypeStruct((B, H), jnp.float32),
    ],
    scratch_shapes=[
        pltpu.VMEM((B, H), jnp.float32),
        pltpu.VMEM((B, H), jnp.float32),
    ],
    compiler_params=pltpu.CompilerParams(
        dimension_semantics=("arbitrary",)),
)


def kernel(x, emb, w_ih1, w_hh1, b_ih1, b_hh1,
           w_ih2, w_hh2, b_ih2, b_hh2, fc_w, fc_b):
    p = _proj_call(emb, w_ih1.T, (b_ih1 + b_hh1)[None, :])

    idx4 = jnp.pad(x.T.reshape(NSEG, NW, NCH, CH).astype(jnp.int32),
                   ((0, 0), (0, 0), (0, NCHP - NCH), (0, 0)))
    xps = [_sc_gather()(p, idx4[s]) for s in range(NSEG)]

    wh1 = w_hh1.T
    w2 = w_ih2.T
    wh2 = w_hh2.T
    fct = fc_w.T
    b2 = (b_ih2 + b_hh2)[None, :]
    fcb = fc_b[None, :]
    h1 = jnp.zeros((B, H), jnp.float32)
    h2 = jnp.zeros((B, H), jnp.float32)
    out = None
    for s in range(NSEG):
        out, h1, h2 = _rnn_call(xps[s], h1, h2, wh1, w2, wh2, fct, b2, fcb)
    return out

# --- scband reference (transcript-rebuilt; emitter-appended) ---
"""Pipeline reference for scband-text-rnnclassifier-74062416052718 (READ-ONLY COPY).

The authoritative reference and input builder live on the scoring server;
editing this copy changes nothing except your own understanding.
"""

import jax, jax.numpy as jnp
import numpy as np

VOCAB = 110000
EMB = 64
H = 128
NCLS = 20
B = 1024
L = 200


def setup_inputs(seed: int = 0) -> dict:
    key = jax.random.key(seed)
    ks = jax.random.split(key, 12)
    x = jax.random.randint(ks[0], (B, L), 0, VOCAB, dtype=jnp.int64) if jax.config.jax_enable_x64 else jax.random.randint(ks[0], (B, L), 0, VOCAB, dtype=jnp.int32)
    emb = jax.random.normal(ks[1], (VOCAB, EMB), dtype=jnp.float32) * 0.05
    emb = emb.at[0].set(0.0)  # padding_idx=0
    s1 = 1.0 / np.sqrt(H)
    w_ih1 = jax.random.uniform(ks[2], (H, EMB), minval=-s1, maxval=s1, dtype=jnp.float32)
    w_hh1 = jax.random.uniform(ks[3], (H, H), minval=-s1, maxval=s1, dtype=jnp.float32)
    b_ih1 = jax.random.uniform(ks[4], (H,), minval=-s1, maxval=s1, dtype=jnp.float32)
    b_hh1 = jax.random.uniform(ks[5], (H,), minval=-s1, maxval=s1, dtype=jnp.float32)
    w_ih2 = jax.random.uniform(ks[6], (H, H), minval=-s1, maxval=s1, dtype=jnp.float32)
    w_hh2 = jax.random.uniform(ks[7], (H, H), minval=-s1, maxval=s1, dtype=jnp.float32)
    b_ih2 = jax.random.uniform(ks[8], (H,), minval=-s1, maxval=s1, dtype=jnp.float32)
    b_hh2 = jax.random.uniform(ks[9], (H,), minval=-s1, maxval=s1, dtype=jnp.float32)
    s2 = 1.0 / np.sqrt(H)
    fc_w = jax.random.uniform(ks[10], (NCLS, H), minval=-s2, maxval=s2, dtype=jnp.float32)
    fc_b = jax.random.uniform(ks[11], (NCLS,), minval=-s2, maxval=s2, dtype=jnp.float32)
    return {"x": x, "emb": emb, "w_ih1": w_ih1, "w_hh1": w_hh1, "b_ih1": b_ih1, "b_hh1": b_hh1,
            "w_ih2": w_ih2, "w_hh2": w_hh2, "b_ih2": b_ih2, "b_hh2": b_hh2, "fc_w": fc_w, "fc_b": fc_b}


def _rnn_layer(inp, w_ih, w_hh, b_ih, b_hh):
    # inp: [B, L, D] -> outputs [B, L, H]; h_t = tanh(x_t W_ih^T + b_ih + h_{t-1} W_hh^T + b_hh)
    h0 = jnp.zeros((inp.shape[0], w_hh.shape[0]), dtype=inp.dtype)

    def step(h, xt):
        h_new = jnp.tanh(xt @ w_ih.T + b_ih + h @ w_hh.T + b_hh)
        return h_new, h_new

    _, ys = jax.lax.scan(step, h0, jnp.swapaxes(inp, 0, 1))
    return jnp.swapaxes(ys, 0, 1)


def reference(x, emb, w_ih1, w_hh1, b_ih1, b_hh1, w_ih2, w_hh2, b_ih2, b_hh2, fc_w, fc_b):
    # embedding lookup (gather)
    e = jnp.take(emb, x, axis=0)  # [B, L, 64]
    # dropout layers are identity in eval mode
    h1 = _rnn_layer(e, w_ih1, w_hh1, b_ih1, b_hh1)   # [B, L, 128]
    h2 = _rnn_layer(h1, w_ih2, w_hh2, b_ih2, b_hh2)  # [B, L, 128]
    last = h2[:, -1, :]                              # [B, 128]
    out = last @ fc_w.T + fc_b                       # [B, 20]
    return out

if __name__ == "__main__":
    import jax
    _d = setup_inputs()
    print(jax.jit(kernel)(*tuple(_d.values())))

</pallas_src>

<mosaic_0001>
#map = affine_map<(d0, d1) -> (0, 0)>
#map1 = affine_map<(d0, d1) -> (0, 0, 0)>
module attributes {stable_mosaic.version = 14 : i64} {
  func.func @_sc_gather_body(%arg0: i32, %arg1: i32, %arg2: memref<110000x128xf32, #tpu.memory_space<hbm>>, %arg3: memref<32x32x128xi32, #tpu.memory_space<hbm>>, %arg4: memref<102400x128xf32, #tpu.memory_space<hbm>>, %arg5: memref<32x128xi32, #tpu.memory_space<vmem>>, %arg6: memref<128x128xf32, #tpu.memory_space<vmem>>, %arg7: memref<128x128xf32, #tpu.memory_space<vmem>>, %arg8: memref<!tpu.dma_semaphore, #tpu.memory_space<semaphore_mem>>, %arg9: memref<!tpu.dma_semaphore, #tpu.memory_space<semaphore_mem>>) attributes {dimension_semantics = [#tpu.dimension_semantics<core_parallel>, #tpu.dimension_semantics<subcore_parallel>], iteration_bounds = array<i64: 2, 16>, scalar_prefetch = 0 : i64, scratch_operands = 5 : i64, tpu.core_type = #tpu.core_type<sc_vector_subcore>, window_params = [{transform_indices = #map}, {transform_indices = #map1}, {transform_indices = #map}]} {
    %mul3A = arith.constant 2 : i32
    %mul3A_0 = arith.muli %arg1, %mul3A : i32
    %add3A = arith.addi %mul3A_0, %arg0 : i32
    "tpu.region"() ({
      %run_scoped3A = tpu.sem_alloc : memref<!tpu.dma_semaphore, #tpu.memory_space<semaphore_mem>>
      %dma_start3A_25 = arith.constant 0 : i32
      %dma_start3A_26 = arith.constant 0 : i32
      %dma_start3A_27 = tpu.memref_slice %arg3[%add3A, %dma_start3A_25, %dma_start3A_26] : memref<32x32x128xi32, #tpu.memory_space<hbm>> -> memref<1x32x128xi32, #tpu.memory_space<hbm>>
      %dma_start3A_28 = tpu.memref_squeeze %dma_start3A_27 : memref<1x32x128xi32, #tpu.memory_space<hbm>> -> memref<32x128xi32, #tpu.memory_space<hbm>>
      %dma_start3A_29 = arith.constant 0 : i32
      %dma_start3A_30 = arith.constant 0 : i32
      %dma_start3A_31 = tpu.memref_slice %arg3[%add3A, %dma_start3A_29, %dma_start3A_30] : memref<32x32x128xi32, #tpu.memory_space<hbm>> -> memref<1x32x128xi32, #tpu.memory_space<hbm>>
      %dma_start3A_32 = tpu.memref_squeeze %dma_start3A_31 : memref<1x32x128xi32, #tpu.memory_space<hbm>> -> memref<32x128xi32, #tpu.memory_space<hbm>>
      tpu.enqueue_dma source(%dma_start3A_32 : memref<32x128xi32, #tpu.memory_space<hbm>>) target(%arg5 : memref<32x128xi32, #tpu.memory_space<vmem>>) target_semaphore(%run_scoped3A : memref<!tpu.dma_semaphore, #tpu.memory_space<semaphore_mem>>)
      %dma_wait3A_33 = arith.constant 0 : i32
      %dma_wait3A_34 = arith.constant 0 : i32
      %dma_wait3A_35 = tpu.memref_slice %arg3[%add3A, %dma_wait3A_33, %dma_wait3A_34] : memref<32x32x128xi32, #tpu.memory_space<hbm>> -> memref<1x32x128xi32, #tpu.memory_space<hbm>>
      %dma_wait3A_36 = tpu.memref_squeeze %dma_wait3A_35 : memref<1x32x128xi32, #tpu.memory_space<hbm>> -> memref<32x128xi32, #tpu.memory_space<hbm>>
      %dma_wait3A_37 = arith.constant 0 : i32
      %dma_wait3A_38 = arith.constant 0 : i32
      %dma_wait3A_39 = tpu.memref_slice %arg3[%add3A, %dma_wait3A_37, %dma_wait3A_38] : memref<32x32x128xi32, #tpu.memory_space<hbm>> -> memref<1x32x128xi32, #tpu.memory_space<hbm>>
      %dma_wait3A_40 = tpu.memref_squeeze %dma_wait3A_39 : memref<1x32x128xi32, #tpu.memory_space<hbm>> -> memref<32x128xi32, #tpu.memory_space<hbm>>
      tpu.wait_dma2 semaphore(%run_scoped3A : memref<!tpu.dma_semaphore, #tpu.memory_space<semaphore_mem>>) src(%dma_wait3A_40 : memref<32x128xi32, #tpu.memory_space<hbm>>) dst(%arg5 : memref<32x128xi32, #tpu.memory_space<vmem>>)
      tpu.yield
    }) : () -> ()
    %mul3A_1 = arith.constant 25 : i32
    %mul3A_2 = arith.muli %add3A, %mul3A_1 : i32
    %dma_start3A = arith.constant 0 : i32
    %dma_start3A_3 = arith.constant 0 : i32
    %dma_start3A_4 = tpu.memref_slice %arg5[%dma_start3A, %dma_start3A_3] : memref<32x128xi32, #tpu.memory_space<vmem>> -> memref<1x128xi32, #tpu.memory_space<vmem>>
    %dma_start3A_5 = tpu.memref_squeeze %dma_start3A_4 : memref<1x128xi32, #tpu.memory_space<vmem>> -> memref<128xi32, #tpu.memory_space<vmem>>
    %dma_start3A_6 = arith.constant 0 : i32
    %dma_start3A_7 = arith.constant 0 : i32
    %dma_start3A_8 = tpu.memref_slice %arg2[%dma_start3A_6, %dma_start3A_7] : memref<110000x128xf32, #tpu.memory_space<hbm>> -> memref<110000x128xf32, #tpu.memory_space<hbm>>
    tpu.enqueue_indirect_dma source(%dma_start3A_8 : memref<110000x128xf32, #tpu.memory_space<hbm>>) target(%arg6 : memref<128x128xf32, #tpu.memory_space<vmem>>) offsets(%dma_start3A_5 : memref<128xi32, #tpu.memory_space<vmem>>) semaphore(%arg8 : memref<!tpu.dma_semaphore, #tpu.memory_space<semaphore_mem>>)
    %scan3A = arith.constant 0 : i32
    %scan3A_9 = arith.constant 0 : i32
    %scan3A_10 = arith.constant 12 : i32
    %scan3A_11 = arith.addi %scan3A_9, %scan3A_10 : i32
    %scan3A_12 = arith.constant 1 : i32
    %scan3A_13 = scf.for %scan3A_25 = %scan3A_9 to %scan3A_11 step %scan3A_12 iter_args(%scan3A_26 = %scan3A) -> (i32)  : i32 {
      %mul3A_27 = arith.constant 2 : i32
      %mul3A_28 = arith.muli %mul3A_27, %scan3A_25 : i32
      %add3A_29 = arith.constant 1 : i32
      %add3A_30 = arith.addi %mul3A_28, %add3A_29 : i32
      %dma_start3A_31 = arith.constant 0 : i32
      %dma_start3A_32 = tpu.memref_slice %arg5[%add3A_30, %dma_start3A_31] : memref<32x128xi32, #tpu.memory_space<vmem>> -> memref<1x128xi32, #tpu.memory_space<vmem>>
      %dma_start3A_33 = tpu.memref_squeeze %dma_start3A_32 : memref<1x128xi32, #tpu.memory_space<vmem>> -> memref<128xi32, #tpu.memory_space<vmem>>
      %dma_start3A_34 = arith.constant 0 : i32
      %dma_start3A_35 = arith.constant 0 : i32
      %dma_start3A_36 = tpu.memref_slice %arg2[%dma_start3A_34, %dma_start3A_35] : memref<110000x128xf32, #tpu.memory_space<hbm>> -> memref<110000x128xf32, #tpu.memory_space<hbm>>
      tpu.enqueue_indirect_dma source(%dma_start3A_36 : memref<110000x128xf32, #tpu.memory_space<hbm>>) target(%arg7 : memref<128x128xf32, #tpu.memory_space<vmem>>) offsets(%dma_start3A_33 : memref<128xi32, #tpu.memory_space<vmem>>) semaphore(%arg9 : memref<!tpu.dma_semaphore, #tpu.memory_space<semaphore_mem>>)
      %dma_wait3A_37 = arith.constant 0 : i32
      %dma_wait3A_38 = arith.constant 0 : i32
      %dma_wait3A_39 = tpu.memref_slice %arg5[%dma_wait3A_37, %dma_wait3A_38] : memref<32x128xi32, #tpu.memory_space<vmem>> -> memref<1x128xi32, #tpu.memory_space<vmem>>
      %dma_wait3A_40 = tpu.memref_squeeze %dma_wait3A_39 : memref<1x128xi32, #tpu.memory_space<vmem>> -> memref<128xi32, #tpu.memory_space<vmem>>
      %dma_wait3A_41 = arith.constant 0 : i32
      %dma_wait3A_42 = arith.constant 0 : i32
      %dma_wait3A_43 = tpu.memref_slice %arg2[%dma_wait3A_41, %dma_wait3A_42] : memref<110000x128xf32, #tpu.memory_space<hbm>> -> memref<110000x128xf32, #tpu.memory_space<hbm>>
      tpu.wait_indirect_dma semaphore(%arg8 : memref<!tpu.dma_semaphore, #tpu.memory_space<semaphore_mem>>) src(%dma_wait3A_43 : memref<110000x128xf32, #tpu.memory_space<hbm>>) dst(%arg6 : memref<128x128xf32, #tpu.memory_space<vmem>>)
      %add3A_44 = arith.addi %mul3A_2, %mul3A_28 : i32
      %mul3A_45 = arith.constant 128 : i32
      %mul3A_46 = arith.muli %add3A_44, %mul3A_45 : i32
      "tpu.region"() ({
        %run_scoped3A = tpu.sem_alloc : memref<!tpu.dma_semaphore, #tpu.memory_space<semaphore_mem>>
        %dma_start3A_68 = arith.constant 0 : i32
        %dma_start3A_69 = tpu.memref_slice %arg4[%mul3A_46, %dma_start3A_68] : memref<102400x128xf32, #tpu.memory_space<hbm>> -> memref<128x128xf32, #tpu.memory_space<hbm>>
        %dma_start3A_70 = arith.constant 0 : i32
        %dma_start3A_71 = tpu.memref_slice %arg4[%mul3A_46, %dma_start3A_70] : memref<102400x128xf32, #tpu.memory_space<hbm>> -> memref<128x128xf32, #tpu.memory_space<hbm>>
        tpu.enqueue_dma source(%arg6 : memref<128x128xf32, #tpu.memory_space<vmem>>) target(%dma_start3A_71 : memref<128x128xf32, #tpu.memory_space<hbm>>) target_semaphore(%run_scoped3A : memref<!tpu.dma_semaphore, #tpu.memory_space<semaphore_mem>>)
        %dma_wait3A_72 = arith.constant 0 : i32
        %dma_wait3A_73 = tpu.memref_slice %arg4[%mul3A_46, %dma_wait3A_72] : memref<102400x128xf32, #tpu.memory_space<hbm>> -> memref<128x128xf32, #tpu.memory_space<hbm>>
        %dma_wait3A_74 = arith.constant 0 : i32
        %dma_wait3A_75 = tpu.memref_slice %arg4[%mul3A_46, %dma_wait3A_74] : memref<102400x128xf32, #tpu.memory_space<hbm>> -> memref<128x128xf32, #tpu.memory_space<hbm>>
        tpu.wait_dma2 semaphore(%run_scoped3A : memref<!tpu.dma_semaphore, #tpu.memory_space<semaphore_mem>>) src(%arg6 : memref<128x128xf32, #tpu.memory_space<vmem>>) dst(%dma_wait3A_75 : memref<128x128xf32, #tpu.memory_space<hbm>>)
        tpu.yield
      }) : () -> ()
      %add3A_47 = arith.constant 2 : i32
      %add3A_48 = arith.addi %mul3A_28, %add3A_47 : i32
      %dma_start3A_49 = arith.constant 0 : i32
      %dma_start3A_50 = tpu.memref_slice %arg5[%add3A_48, %dma_start3A_49] : memref<32x128xi32, #tpu.memory_space<vmem>> -> memref<1x128xi32, #tpu.memory_space<vmem>>
      %dma_start3A_51 = tpu.memref_squeeze %dma_start3A_50 : memref<1x128xi32, #tpu.memory_space<vmem>> -> memref<128xi32, #tpu.memory_space<vmem>>
      %dma_start3A_52 = arith.constant 0 : i32
      %dma_start3A_53 = arith.constant 0 : i32
      %dma_start3A_54 = tpu.memref_slice %arg2[%dma_start3A_52, %dma_start3A_53] : memref<110000x128xf32, #tpu.memory_space<hbm>> -> memref<110000x128xf32, #tpu.memory_space<hbm>>
      tpu.enqueue_indirect_dma source(%dma_start3A_54 : memref<110000x128xf32, #tpu.memory_space<hbm>>) target(%arg6 : memref<128x128xf32, #tpu.memory_space<vmem>>) offsets(%dma_start3A_51 : memref<128xi32, #tpu.memory_space<vmem>>) semaphore(%arg8 : memref<!tpu.dma_semaphore, #tpu.memory_space<semaphore_mem>>)
      %add3A_55 = arith.constant 1 : i32
      %add3A_56 = arith.addi %mul3A_28, %add3A_55 : i32
      %dma_wait3A_57 = arith.constant 0 : i32
      %dma_wait3A_58 = arith.constant 0 : i32
      %dma_wait3A_59 = tpu.memref_slice %arg5[%dma_wait3A_57, %dma_wait3A_58] : memref<32x128xi32, #tpu.memory_space<vmem>> -> memref<1x128xi32, #tpu.memory_space<vmem>>
      %dma_wait3A_60 = tpu.memref_squeeze %dma_wait3A_59 : memref<1x128xi32, #tpu.memory_space<vmem>> -> memref<128xi32, #tpu.memory_space<vmem>>
      %dma_wait3A_61 = arith.constant 0 : i32
      %dma_wait3A_62 = arith.constant 0 : i32
      %dma_wait3A_63 = tpu.memref_slice %arg2[%dma_wait3A_61, %dma_wait3A_62] : memref<110000x128xf32, #tpu.memory_space<hbm>> -> memref<110000x128xf32, #tpu.memory_space<hbm>>
      tpu.wait_indirect_dma semaphore(%arg9 : memref<!tpu.dma_semaphore, #tpu.memory_space<semaphore_mem>>) src(%dma_wait3A_63 : memref<110000x128xf32, #tpu.memory_space<hbm>>) dst(%arg7 : memref<128x128xf32, #tpu.memory_space<vmem>>)
      %add3A_64 = arith.addi %mul3A_2, %add3A_56 : i32
      %mul3A_65 = arith.constant 128 : i32
      %mul3A_66 = arith.muli %add3A_64, %mul3A_65 : i32
      "tpu.region"() ({
        %run_scoped3A = tpu.sem_alloc : memref<!tpu.dma_semaphore, #tpu.memory_space<semaphore_mem>>
        %dma_start3A_68 = arith.constant 0 : i32
        %dma_start3A_69 = tpu.memref_slice %arg4[%mul3A_66, %dma_start3A_68] : memref<102400x128xf32, #tpu.memory_space<hbm>> -> memref<128x128xf32, #tpu.memory_space<hbm>>
        %dma_start3A_70 = arith.constant 0 : i32
        %dma_start3A_71 = tpu.memref_slice %arg4[%mul3A_66, %dma_start3A_70] : memref<102400x128xf32, #tpu.memory_space<hbm>> -> memref<128x128xf32, #tpu.memory_space<hbm>>
        tpu.enqueue_dma source(%arg7 : memref<128x128xf32, #tpu.memory_space<vmem>>) target(%dma_start3A_71 : memref<128x128xf32, #tpu.memory_space<hbm>>) target_semaphore(%run_scoped3A : memref<!tpu.dma_semaphore, #tpu.memory_space<semaphore_mem>>)
        %dma_wait3A_72 = arith.constant 0 : i32
        %dma_wait3A_73 = tpu.memref_slice %arg4[%mul3A_66, %dma_wait3A_72] : memref<102400x128xf32, #tpu.memory_space<hbm>> -> memref<128x128xf32, #tpu.memory_space<hbm>>
        %dma_wait3A_74 = arith.constant 0 : i32
        %dma_wait3A_75 = tpu.memref_slice %arg4[%mul3A_66, %dma_wait3A_74] : memref<102400x128xf32, #tpu.memory_space<hbm>> -> memref<128x128xf32, #tpu.memory_space<hbm>>
        tpu.wait_dma2 semaphore(%run_scoped3A : memref<!tpu.dma_semaphore, #tpu.memory_space<semaphore_mem>>) src(%arg7 : memref<128x128xf32, #tpu.memory_space<vmem>>) dst(%dma_wait3A_75 : memref<128x128xf32, #tpu.memory_space<hbm>>)
        tpu.yield
      }) : () -> ()
      %scan3A_67 = arith.constant 0 : i32
      scf.yield %scan3A_67 : i32
    }
    %scan3A_14 = arith.constant 12 : i32
    %dma_wait3A = arith.constant 0 : i32
    %dma_wait3A_15 = arith.constant 0 : i32
    %dma_wait3A_16 = tpu.memref_slice %arg5[%dma_wait3A, %dma_wait3A_15] : memref<32x128xi32, #tpu.memory_space<vmem>> -> memref<1x128xi32, #tpu.memory_space<vmem>>
    %dma_wait3A_17 = tpu.memref_squeeze %dma_wait3A_16 : memref<1x128xi32, #tpu.memory_space<vmem>> -> memref<128xi32, #tpu.memory_space<vmem>>
    %dma_wait3A_18 = arith.constant 0 : i32
    %dma_wait3A_19 = arith.constant 0 : i32
    %dma_wait3A_20 = tpu.memref_slice %arg2[%dma_wait3A_18, %dma_wait3A_19] : memref<110000x128xf32, #tpu.memory_space<hbm>> -> memref<110000x128xf32, #tpu.memory_space<hbm>>
    tpu.wait_indirect_dma semaphore(%arg8 : memref<!tpu.dma_semaphore, #tpu.memory_space<semaphore_mem>>) src(%dma_wait3A_20 : memref<110000x128xf32, #tpu.memory_space<hbm>>) dst(%arg6 : memref<128x128xf32, #tpu.memory_space<vmem>>)
    %add3A_21 = arith.constant 24 : i32
    %add3A_22 = arith.addi %mul3A_2, %add3A_21 : i32
    %mul3A_23 = arith.constant 128 : i32
    %mul3A_24 = arith.muli %add3A_22, %mul3A_23 : i32
    "tpu.region"() ({
      %run_scoped3A = tpu.sem_alloc : memref<!tpu.dma_semaphore, #tpu.memory_space<semaphore_mem>>
      %dma_start3A_25 = arith.constant 0 : i32
      %dma_start3A_26 = tpu.memref_slice %arg4[%mul3A_24, %dma_start3A_25] : memref<102400x128xf32, #tpu.memory_space<hbm>> -> memref<128x128xf32, #tpu.memory_space<hbm>>
      %dma_start3A_27 = arith.constant 0 : i32
      %dma_start3A_28 = tpu.memref_slice %arg4[%mul3A_24, %dma_start3A_27] : memref<102400x128xf32, #tpu.memory_space<hbm>> -> memref<128x128xf32, #tpu.memory_space<hbm>>
      tpu.enqueue_dma source(%arg6 : memref<128x128xf32, #tpu.memory_space<vmem>>) target(%dma_start3A_28 : memref<128x128xf32, #tpu.memory_space<hbm>>) target_semaphore(%run_scoped3A : memref<!tpu.dma_semaphore, #tpu.memory_space<semaphore_mem>>)
      %dma_wait3A_29 = arith.constant 0 : i32
      %dma_wait3A_30 = tpu.memref_slice %arg4[%mul3A_24, %dma_wait3A_29] : memref<102400x128xf32, #tpu.memory_space<hbm>> -> memref<128x128xf32, #tpu.memory_space<hbm>>
      %dma_wait3A_31 = arith.constant 0 : i32
      %dma_wait3A_32 = tpu.memref_slice %arg4[%mul3A_24, %dma_wait3A_31] : memref<102400x128xf32, #tpu.memory_space<hbm>> -> memref<128x128xf32, #tpu.memory_space<hbm>>
      tpu.wait_dma2 semaphore(%run_scoped3A : memref<!tpu.dma_semaphore, #tpu.memory_space<semaphore_mem>>) src(%arg6 : memref<128x128xf32, #tpu.memory_space<vmem>>) dst(%dma_wait3A_32 : memref<128x128xf32, #tpu.memory_space<hbm>>)
      tpu.yield
    }) : () -> ()
    return
  }
}

#map = affine_map<(d0, d1) -> (0, 0)>
#map1 = affine_map<(d0, d1) -> (0, 0, 0)>
module attributes {stable_mosaic.version = 14 : i64} {
  func.func @_sc_gather_body(%arg0: i32, %arg1: i32, %arg2: memref<110000x128xf32, #tpu.memory_space<hbm>>, %arg3: memref<32x32x128xi32, #tpu.memory_space<hbm>>, %arg4: memref<102400x128xf32, #tpu.memory_space<hbm>>, %arg5: memref<32x128xi32, #tpu.memory_space<vmem>>, %arg6: memref<128x128xf32, #tpu.memory_space<vmem>>, %arg7: memref<128x128xf32, #tpu.memory_space<vmem>>, %arg8: memref<!tpu.dma_semaphore, #tpu.memory_space<semaphore_mem>>, %arg9: memref<!tpu.dma_semaphore, #tpu.memory_space<semaphore_mem>>) attributes {dimension_semantics = [#tpu.dimension_semantics<core_parallel>, #tpu.dimension_semantics<subcore_parallel>], iteration_bounds = array<i64: 2, 16>, scalar_prefetch = 0 : i64, scratch_operands = 5 : i64, tpu.core_type = #tpu.core_type<sc_vector_subcore>, window_params = [{transform_indices = #map}, {transform_indices = #map1}, {transform_indices = #map}]} {
    %mul3A = arith.constant 2 : i32
    %mul3A_0 = arith.muli %arg1, %mul3A : i32
    %add3A = arith.addi %mul3A_0, %arg0 : i32
    "tpu.region"() ({
      %run_scoped3A = tpu.sem_alloc : memref<!tpu.dma_semaphore, #tpu.memory_space<semaphore_mem>>
      %dma_start3A_25 = arith.constant 0 : i32
      %dma_start3A_26 = arith.constant 0 : i32
      %dma_start3A_27 = tpu.memref_slice %arg3[%add3A, %dma_start3A_25, %dma_start3A_26] : memref<32x32x128xi32, #tpu.memory_space<hbm>> -> memref<1x32x128xi32, #tpu.memory_space<hbm>>
      %dma_start3A_28 = tpu.memref_squeeze %dma_start3A_27 : memref<1x32x128xi32, #tpu.memory_space<hbm>> -> memref<32x128xi32, #tpu.memory_space<hbm>>
      %dma_start3A_29 = arith.constant 0 : i32
      %dma_start3A_30 = arith.constant 0 : i32
      %dma_start3A_31 = tpu.memref_slice %arg3[%add3A, %dma_start3A_29, %dma_start3A_30] : memref<32x32x128xi32, #tpu.memory_space<hbm>> -> memref<1x32x128xi32, #tpu.memory_space<hbm>>
      %dma_start3A_32 = tpu.memref_squeeze %dma_start3A_31 : memref<1x32x128xi32, #tpu.memory_space<hbm>> -> memref<32x128xi32, #tpu.memory_space<hbm>>
      tpu.enqueue_dma source(%dma_start3A_32 : memref<32x128xi32, #tpu.memory_space<hbm>>) target(%arg5 : memref<32x128xi32, #tpu.memory_space<vmem>>) target_semaphore(%run_scoped3A : memref<!tpu.dma_semaphore, #tpu.memory_space<semaphore_mem>>)
      %dma_wait3A_33 = arith.constant 0 : i32
      %dma_wait3A_34 = arith.constant 0 : i32
      %dma_wait3A_35 = tpu.memref_slice %arg3[%add3A, %dma_wait3A_33, %dma_wait3A_34] : memref<32x32x128xi32, #tpu.memory_space<hbm>> -> memref<1x32x128xi32, #tpu.memory_space<hbm>>
      %dma_wait3A_36 = tpu.memref_squeeze %dma_wait3A_35 : memref<1x32x128xi32, #tpu.memory_space<hbm>> -> memref<32x128xi32, #tpu.memory_space<hbm>>
      %dma_wait3A_37 = arith.constant 0 : i32
      %dma_wait3A_38 = arith.constant 0 : i32
      %dma_wait3A_39 = tpu.memref_slice %arg3[%add3A, %dma_wait3A_37, %dma_wait3A_38] : memref<32x32x128xi32, #tpu.memory_space<hbm>> -> memref<1x32x128xi32, #tpu.memory_space<hbm>>
      %dma_wait3A_40 = tpu.memref_squeeze %dma_wait3A_39 : memref<1x32x128xi32, #tpu.memory_space<hbm>> -> memref<32x128xi32, #tpu.memory_space<hbm>>
      tpu.wait_dma2 semaphore(%run_scoped3A : memref<!tpu.dma_semaphore, #tpu.memory_space<semaphore_mem>>) src(%dma_wait3A_40 : memref<32x128xi32, #tpu.memory_space<hbm>>) dst(%arg5 : memref<32x128xi32, #tpu.memory_space<vmem>>)
      tpu.yield
    }) : () -> ()
    %mul3A_1 = arith.constant 25 : i32
    %mul3A_2 = arith.muli %add3A, %mul3A_1 : i32
    %dma_start3A = arith.constant 0 : i32
    %dma_start3A_3 = arith.constant 0 : i32
    %dma_start3A_4 = tpu.memref_slice %arg5[%dma_start3A, %dma_start3A_3] : memref<32x128xi32, #tpu.memory_space<vmem>> -> memref<1x128xi32, #tpu.memory_space<vmem>>
    %dma_start3A_5 = tpu.memref_squeeze %dma_start3A_4 : memref<1x128xi32, #tpu.memory_space<vmem>> -> memref<128xi32, #tpu.memory_space<vmem>>
    %dma_start3A_6 = arith.constant 0 : i32
    %dma_start3A_7 = arith.constant 0 : i32
    %dma_start3A_8 = tpu.memref_slice %arg2[%dma_start3A_6, %dma_start3A_7] : memref<110000x128xf32, #tpu.memory_space<hbm>> -> memref<110000x128xf32, #tpu.memory_space<hbm>>
    tpu.enqueue_indirect_dma source(%dma_start3A_8 : memref<110000x128xf32, #tpu.memory_space<hbm>>) target(%arg6 : memref<128x128xf32, #tpu.memory_space<vmem>>) offsets(%dma_start3A_5 : memref<128xi32, #tpu.memory_space<vmem>>) semaphore(%arg8 : memref<!tpu.dma_semaphore, #tpu.memory_space<semaphore_mem>>)
    %scan3A = arith.constant 0 : i32
    %scan3A_9 = arith.constant 0 : i32
    %scan3A_10 = arith.constant 12 : i32
    %scan3A_11 = arith.addi %scan3A_9, %scan3A_10 : i32
    %scan3A_12 = arith.constant 1 : i32
    %scan3A_13 = scf.for %scan3A_25 = %scan3A_9 to %scan3A_11 step %scan3A_12 iter_args(%scan3A_26 = %scan3A) -> (i32)  : i32 {
      %mul3A_27 = arith.constant 2 : i32
      %mul3A_28 = arith.muli %mul3A_27, %scan3A_25 : i32
      %add3A_29 = arith.constant 1 : i32
      %add3A_30 = arith.addi %mul3A_28, %add3A_29 : i32
      %dma_start3A_31 = arith.constant 0 : i32
      %dma_start3A_32 = tpu.memref_slice %arg5[%add3A_30, %dma_start3A_31] : memref<32x128xi32, #tpu.memory_space<vmem>> -> memref<1x128xi32, #tpu.memory_space<vmem>>
      %dma_start3A_33 = tpu.memref_squeeze %dma_start3A_32 : memref<1x128xi32, #tpu.memory_space<vmem>> -> memref<128xi32, #tpu.memory_space<vmem>>
      %dma_start3A_34 = arith.constant 0 : i32
      %dma_start3A_35 = arith.constant 0 : i32
      %dma_start3A_36 = tpu.memref_slice %arg2[%dma_start3A_34, %dma_start3A_35] : memref<110000x128xf32, #tpu.memory_space<hbm>> -> memref<110000x128xf32, #tpu.memory_space<hbm>>
      tpu.enqueue_indirect_dma source(%dma_start3A_36 : memref<110000x128xf32, #tpu.memory_space<hbm>>) target(%arg7 : memref<128x128xf32, #tpu.memory_space<vmem>>) offsets(%dma_start3A_33 : memref<128xi32, #tpu.memory_space<vmem>>) semaphore(%arg9 : memref<!tpu.dma_semaphore, #tpu.memory_space<semaphore_mem>>)
      %dma_wait3A_37 = arith.constant 0 : i32
      %dma_wait3A_38 = arith.constant 0 : i32
      %dma_wait3A_39 = tpu.memref_slice %arg5[%dma_wait3A_37, %dma_wait3A_38] : memref<32x128xi32, #tpu.memory_space<vmem>> -> memref<1x128xi32, #tpu.memory_space<vmem>>
      %dma_wait3A_40 = tpu.memref_squeeze %dma_wait3A_39 : memref<1x128xi32, #tpu.memory_space<vmem>> -> memref<128xi32, #tpu.memory_space<vmem>>
      %dma_wait3A_41 = arith.constant 0 : i32
      %dma_wait3A_42 = arith.constant 0 : i32
      %dma_wait3A_43 = tpu.memref_slice %arg2[%dma_wait3A_41, %dma_wait3A_42] : memref<110000x128xf32, #tpu.memory_space<hbm>> -> memref<110000x128xf32, #tpu.memory_space<hbm>>
      tpu.wait_indirect_dma semaphore(%arg8 : memref<!tpu.dma_semaphore, #tpu.memory_space<semaphore_mem>>) src(%dma_wait3A_43 : memref<110000x128xf32, #tpu.memory_space<hbm>>) dst(%arg6 : memref<128x128xf32, #tpu.memory_space<vmem>>)
      %add3A_44 = arith.addi %mul3A_2, %mul3A_28 : i32
      %mul3A_45 = arith.constant 128 : i32
      %mul3A_46 = arith.muli %add3A_44, %mul3A_45 : i32
      "tpu.region"() ({
        %run_scoped3A = tpu.sem_alloc : memref<!tpu.dma_semaphore, #tpu.memory_space<semaphore_mem>>
        %dma_start3A_68 = arith.constant 0 : i32
        %dma_start3A_69 = tpu.memref_slice %arg4[%mul3A_46, %dma_start3A_68] : memref<102400x128xf32, #tpu.memory_space<hbm>> -> memref<128x128xf32, #tpu.memory_space<hbm>>
        %dma_start3A_70 = arith.constant 0 : i32
        %dma_start3A_71 = tpu.memref_slice %arg4[%mul3A_46, %dma_start3A_70] : memref<102400x128xf32, #tpu.memory_space<hbm>> -> memref<128x128xf32, #tpu.memory_space<hbm>>
        tpu.enqueue_dma source(%arg6 : memref<128x128xf32, #tpu.memory_space<vmem>>) target(%dma_start3A_71 : memref<128x128xf32, #tpu.memory_space<hbm>>) target_semaphore(%run_scoped3A : memref<!tpu.dma_semaphore, #tpu.memory_space<semaphore_mem>>)
        %dma_wait3A_72 = arith.constant 0 : i32
        %dma_wait3A_73 = tpu.memref_slice %arg4[%mul3A_46, %dma_wait3A_72] : memref<102400x128xf32, #tpu.memory_space<hbm>> -> memref<128x128xf32, #tpu.memory_space<hbm>>
        %dma_wait3A_74 = arith.constant 0 : i32
        %dma_wait3A_75 = tpu.memref_slice %arg4[%mul3A_46, %dma_wait3A_74] : memref<102400x128xf32, #tpu.memory_space<hbm>> -> memref<128x128xf32, #tpu.memory_space<hbm>>
        tpu.wait_dma2 semaphore(%run_scoped3A : memref<!tpu.dma_semaphore, #tpu.memory_space<semaphore_mem>>) src(%arg6 : memref<128x128xf32, #tpu.memory_space<vmem>>) dst(%dma_wait3A_75 : memref<128x128xf32, #tpu.memory_space<hbm>>)
        tpu.yield
      }) : () -> ()
      %add3A_47 = arith.constant 2 : i32
      %add3A_48 = arith.addi %mul3A_28, %add3A_47 : i32
      %dma_start3A_49 = arith.constant 0 : i32
      %dma_start3A_50 = tpu.memref_slice %arg5[%add3A_48, %dma_start3A_49] : memref<32x128xi32, #tpu.memory_space<vmem>> -> memref<1x128xi32, #tpu.memory_space<vmem>>
      %dma_start3A_51 = tpu.memref_squeeze %dma_start3A_50 : memref<1x128xi32, #tpu.memory_space<vmem>> -> memref<128xi32, #tpu.memory_space<vmem>>
      %dma_start3A_52 = arith.constant 0 : i32
      %dma_start3A_53 = arith.constant 0 : i32
      %dma_start3A_54 = tpu.memref_slice %arg2[%dma_start3A_52, %dma_start3A_53] : memref<110000x128xf32, #tpu.memory_space<hbm>> -> memref<110000x128xf32, #tpu.memory_space<hbm>>
      tpu.enqueue_indirect_dma source(%dma_start3A_54 : memref<110000x128xf32, #tpu.memory_space<hbm>>) target(%arg6 : memref<128x128xf32, #tpu.memory_space<vmem>>) offsets(%dma_start3A_51 : memref<128xi32, #tpu.memory_space<vmem>>) semaphore(%arg8 : memref<!tpu.dma_semaphore, #tpu.memory_space<semaphore_mem>>)
      %add3A_55 = arith.constant 1 : i32
      %add3A_56 = arith.addi %mul3A_28, %add3A_55 : i32
      %dma_wait3A_57 = arith.constant 0 : i32
      %dma_wait3A_58 = arith.constant 0 : i32
      %dma_wait3A_59 = tpu.memref_slice %arg5[%dma_wait3A_57, %dma_wait3A_58] : memref<32x128xi32, #tpu.memory_space<vmem>> -> memref<1x128xi32, #tpu.memory_space<vmem>>
      %dma_wait3A_60 = tpu.memref_squeeze %dma_wait3A_59 : memref<1x128xi32, #tpu.memory_space<vmem>> -> memref<128xi32, #tpu.memory_space<vmem>>
      %dma_wait3A_61 = arith.constant 0 : i32
      %dma_wait3A_62 = arith.constant 0 : i32
      %dma_wait3A_63 = tpu.memref_slice %arg2[%dma_wait3A_61, %dma_wait3A_62] : memref<110000x128xf32, #tpu.memory_space<hbm>> -> memref<110000x128xf32, #tpu.memory_space<hbm>>
      tpu.wait_indirect_dma semaphore(%arg9 : memref<!tpu.dma_semaphore, #tpu.memory_space<semaphore_mem>>) src(%dma_wait3A_63 : memref<110000x128xf32, #tpu.memory_space<hbm>>) dst(%arg7 : memref<128x128xf32, #tpu.memory_space<vmem>>)
      %add3A_64 = arith.addi %mul3A_2, %add3A_56 : i32
      %mul3A_65 = arith.constant 128 : i32
      %mul3A_66 = arith.muli %add3A_64, %mul3A_65 : i32
      "tpu.region"() ({
        %run_scoped3A = tpu.sem_alloc : memref<!tpu.dma_semaphore, #tpu.memory_space<semaphore_mem>>
        %dma_start3A_68 = arith.constant 0 : i32
        %dma_start3A_69 = tpu.memref_slice %arg4[%mul3A_66, %dma_start3A_68] : memref<102400x128xf32, #tpu.memory_space<hbm>> -> memref<128x128xf32, #tpu.memory_space<hbm>>
        %dma_start3A_70 = arith.constant 0 : i32
        %dma_start3A_71 = tpu.memref_slice %arg4[%mul3A_66, %dma_start3A_70] : memref<102400x128xf32, #tpu.memory_space<hbm>> -> memref<128x128xf32, #tpu.memory_space<hbm>>
        tpu.enqueue_dma source(%arg7 : memref<128x128xf32, #tpu.memory_space<vmem>>) target(%dma_start3A_71 : memref<128x128xf32, #tpu.memory_space<hbm>>) target_semaphore(%run_scoped3A : memref<!tpu.dma_semaphore, #tpu.memory_space<semaphore_mem>>)
        %dma_wait3A_72 = arith.constant 0 : i32
        %dma_wait3A_73 = tpu.memref_slice %arg4[%mul3A_66, %dma_wait3A_72] : memref<102400x128xf32, #tpu.memory_space<hbm>> -> memref<128x128xf32, #tpu.memory_space<hbm>>
        %dma_wait3A_74 = arith.constant 0 : i32
        %dma_wait3A_75 = tpu.memref_slice %arg4[%mul3A_66, %dma_wait3A_74] : memref<102400x128xf32, #tpu.memory_space<hbm>> -> memref<128x128xf32, #tpu.memory_space<hbm>>
        tpu.wait_dma2 semaphore(%run_scoped3A : memref<!tpu.dma_semaphore, #tpu.memory_space<semaphore_mem>>) src(%arg7 : memref<128x128xf32, #tpu.memory_space<vmem>>) dst(%dma_wait3A_75 : memref<128x128xf32, #tpu.memory_space<hbm>>)
        tpu.yield
      }) : () -> ()
      %scan3A_67 = arith.constant 0 : i32
      scf.yield %scan3A_67 : i32
    }
    %scan3A_14 = arith.constant 12 : i32
    %dma_wait3A = arith.constant 0 : i32
    %dma_wait3A_15 = arith.constant 0 : i32
    %dma_wait3A_16 = tpu.memref_slice %arg5[%dma_wait3A, %dma_wait3A_15] : memref<32x128xi32, #tpu.memory_space<vmem>> -> memref<1x128xi32, #tpu.memory_space<vmem>>
    %dma_wait3A_17 = tpu.memref_squeeze %dma_wait3A_16 : memref<1x128xi32, #tpu.memory_space<vmem>> -> memref<128xi32, #tpu.memory_space<vmem>>
    %dma_wait3A_18 = arith.constant 0 : i32
    %dma_wait3A_19 = arith.constant 0 : i32
    %dma_wait3A_20 = tpu.memref_slice %arg2[%dma_wait3A_18, %dma_wait3A_19] : memref<110000x128xf32, #tpu.memory_space<hbm>> -> memref<110000x128xf32, #tpu.memory_space<hbm>>
    tpu.wait_indirect_dma semaphore(%arg8 : memref<!tpu.dma_semaphore, #tpu.memory_space<semaphore_mem>>) src(%dma_wait3A_20 : memref<110000x128xf32, #tpu.memory_space<hbm>>) dst(%arg6 : memref<128x128xf32, #tpu.memory_space<vmem>>)
    %add3A_21 = arith.constant 24 : i32
    %add3A_22 = arith.addi %mul3A_2, %add3A_21 : i32
    %mul3A_23 = arith.constant 128 : i32
    %mul3A_24 = arith.muli %add3A_22, %mul3A_23 : i32
    "tpu.region"() ({
      %run_scoped3A = tpu.sem_alloc : memref<!tpu.dma_semaphore, #tpu.memory_space<semaphore_mem>>
      %dma_start3A_25 = arith.constant 0 : i32
      %dma_start3A_26 = tpu.memref_slice %arg4[%mul3A_24, %dma_start3A_25] : memref<102400x128xf32, #tpu.memory_space<hbm>> -> memref<128x128xf32, #tpu.memory_space<hbm>>
      %dma_start3A_27 = arith.constant 0 : i32
      %dma_start3A_28 = tpu.memref_slice %arg4[%mul3A_24, %dma_start3A_27] : memref<102400x128xf32, #tpu.memory_space<hbm>> -> memref<128x128xf32, #tpu.memory_space<hbm>>
      tpu.enqueue_dma source(%arg6 : memref<128x128xf32, #tpu.memory_space<vmem>>) target(%dma_start3A_28 : memref<128x128xf32, #tpu.memory_space<hbm>>) target_semaphore(%run_scoped3A : memref<!tpu.dma_semaphore, #tpu.memory_space<semaphore_mem>>)
      %dma_wait3A_29 = arith.constant 0 : i32
      %dma_wait3A_30 = tpu.memref_slice %arg4[%mul3A_24, %dma_wait3A_29] : memref<102400x128xf32, #tpu.memory_space<hbm>> -> memref<128x128xf32, #tpu.memory_space<hbm>>
      %dma_wait3A_31 = arith.constant 0 : i32
      %dma_wait3A_32 = tpu.memref_slice %arg4[%mul3A_24, %dma_wait3A_31] : memref<102400x128xf32, #tpu.memory_space<hbm>> -> memref<128x128xf32, #tpu.memory_space<hbm>>
      tpu.wait_dma2 semaphore(%run_scoped3A : memref<!tpu.dma_semaphore, #tpu.memory_space<semaphore_mem>>) src(%arg6 : memref<128x128xf32, #tpu.memory_space<vmem>>) dst(%dma_wait3A_32 : memref<128x128xf32, #tpu.memory_space<hbm>>)
      tpu.yield
    }) : () -> ()
    return
  }
}

module attributes {stable_mosaic.version = 14 : i64} {
  func.func @_proj_body(%arg0: i32, %arg1: memref<5000x64xf32, #tpu.memory_space<vmem>>, %arg2: memref<64x128xf32, #tpu.memory_space<vmem>>, %arg3: memref<1x128xf32, #tpu.memory_space<vmem>>, %arg4: memref<5000x128xf32, #tpu.memory_space<vmem>>) attributes {dimension_semantics = [#tpu.dimension_semantics<arbitrary>], iteration_bounds = array<i64: 22>, scalar_prefetch = 0 : i64, scratch_operands = 0 : i64, tpu.core_type = #tpu.core_type<tc>, window_params = [{transform_indices = @transform_0, window_bounds = array<i64: 5000, 64>}, {pipeline_mode = #tpu.pipeline_mode<synchronous>, transform_indices = @transform_1, window_bounds = array<i64: 64, 128>}, {pipeline_mode = #tpu.pipeline_mode<synchronous>, transform_indices = @transform_2, window_bounds = array<i64: 1, 128>}, {transform_indices = @transform_3, window_bounds = array<i64: 5000, 128>}]} {
    %get3A = arith.constant 0 : index
    %get3A_0 = arith.constant 0 : index
    %get3A_1 = vector.load %arg1[%get3A, %get3A_0] : memref<5000x64xf32, #tpu.memory_space<vmem>>, vector<5000x64xf32>
    %get3A_2 = arith.constant 0 : index
    %get3A_3 = arith.constant 0 : index
    %get3A_4 = vector.load %arg2[%get3A_2, %get3A_3] : memref<64x128xf32, #tpu.memory_space<vmem>>, vector<64x128xf32>
    %dot_general3A = arith.constant dense<0.000000e+00> : vector<5000x128xf32>
    %dot_general3A_5 = tpu.matmul %get3A_1, %get3A_4, %dot_general3A {dimension_numbers = #tpu.dot_dimension_numbers<[1], [0], [0], [1], [0, 0, 1, 1], [], []>, transpose_lhs_hint = false} : vector<5000x64xf32>, vector<64x128xf32>, vector<5000x128xf32> -> vector<5000x128xf32>
    %get3A_6 = arith.constant 0 : index
    %get3A_7 = arith.constant 0 : index
    %get3A_8 = vector.load %arg3[%get3A_6, %get3A_7] : memref<1x128xf32, #tpu.memory_space<vmem>>, vector<1x128xf32>
    %add3A = vector.broadcast %get3A_8 : vector<1x128xf32> to vector<5000x128xf32>
    %add3A_9 = arith.addf %dot_general3A_5, %add3A : vector<5000x128xf32>
    %swap3A = arith.constant 0 : index
    %swap3A_10 = arith.constant 0 : index
    %swap3A_11 = vector.load %arg4[%swap3A, %swap3A_10] : memref<5000x128xf32, #tpu.memory_space<vmem>>, vector<5000x128xf32>
    tpu.vector_store %arg4[%swap3A, %swap3A_10], %add3A_9 {strides = array<i32>} : memref<5000x128xf32, #tpu.memory_space<vmem>>, vector<5000x128xf32>,
    return
  }
  func.func @transform_0(%arg0: i32) -> (i32, i32) {
    %c0_i32 = arith.constant 0 : i32
    %c0_i32_0 = arith.constant 0 : i32
    return %arg0, %c0_i32 : i32, i32
  }
  func.func @transform_1(%arg0: i32) -> (i32, i32) {
    %c0_i32 = arith.constant 0 : i32
    %c0_i32_0 = arith.constant 0 : i32
    %c0_i32_1 = arith.constant 0 : i32
    return %c0_i32, %c0_i32_0 : i32, i32
  }
  func.func @transform_2(%arg0: i32) -> (i32, i32) {
    %c0_i32 = arith.constant 0 : i32
    %c0_i32_0 = arith.constant 0 : i32
    %c0_i32_1 = arith.constant 0 : i32
    return %c0_i32, %c0_i32_0 : i32, i32
  }
  func.func @transform_3(%arg0: i32) -> (i32, i32) {
    %c0_i32 = arith.constant 0 : i32
    %c0_i32_0 = arith.constant 0 : i32
    return %arg0, %c0_i32 : i32, i32
  }
}

module attributes {stable_mosaic.version = 14 : i64} {
  func.func @_rnn_body(%arg0: i32, %arg1: memref<10240x128xf32, #tpu.memory_space<vmem>>, %arg2: memref<1024x128xf32, #tpu.memory_space<vmem>>, %arg3: memref<1024x128xf32, #tpu.memory_space<vmem>>, %arg4: memref<128x128xf32, #tpu.memory_space<vmem>>, %arg5: memref<128x128xf32, #tpu.memory_space<vmem>>, %arg6: memref<128x128xf32, #tpu.memory_space<vmem>>, %arg7: memref<128x20xf32, #tpu.memory_space<vmem>>, %arg8: memref<1x128xf32, #tpu.memory_space<vmem>>, %arg9: memref<1x20xf32, #tpu.memory_space<vmem>>, %arg10: memref<1024x20xf32, #tpu.memory_space<vmem>>, %arg11: memref<1024x128xf32, #tpu.memory_space<vmem>>, %arg12: memref<1024x128xf32, #tpu.memory_space<vmem>>, %arg13: memref<1024x128xf32, #tpu.memory_space<vmem>>, %arg14: memref<1024x128xf32, #tpu.memory_space<vmem>>) attributes {dimension_semantics = [#tpu.dimension_semantics<arbitrary>], iteration_bounds = array<i64: 10>, scalar_prefetch = 0 : i64, scratch_operands = 2 : i64, tpu.core_type = #tpu.core_type<tc>, window_params = [{transform_indices = @transform_0, window_bounds = array<i64: 10240, 128>}, {pipeline_mode = #tpu.pipeline_mode<synchronous>, transform_indices = @transform_1, window_bounds = array<i64: 1024, 128>}, {pipeline_mode = #tpu.pipeline_mode<synchronous>, transform_indices = @transform_2, window_bounds = array<i64: 1024, 128>}, {pipeline_mode = #tpu.pipeline_mode<synchronous>, transform_indices = @transform_3, window_bounds = array<i64: 128, 128>}, {pipeline_mode = #tpu.pipeline_mode<synchronous>, transform_indices = @transform_4, window_bounds = array<i64: 128, 128>}, {pipeline_mode = #tpu.pipeline_mode<synchronous>, transform_indices = @transform_5, window_bounds = array<i64: 128, 128>}, {pipeline_mode = #tpu.pipeline_mode<synchronous>, transform_indices = @transform_6, window_bounds = array<i64: 128, 20>}, {pipeline_mode = #tpu.pipeline_mode<synchronous>, transform_indices = @transform_7, window_bounds = array<i64: 1, 128>}, {pipeline_mode = #tpu.pipeline_mode<synchronous>, transform_indices = @transform_8, window_bounds = array<i64: 1, 20>}, {pipeline_mode = #tpu.pipeline_mode<synchronous>, transform_indices = @transform_9, window_bounds = array<i64: 1024, 20>}, {pipeline_mode = #tpu.pipeline_mode<synchronous>, transform_indices = @transform_10, window_bounds = array<i64: 1024, 128>}, {pipeline_mode = #tpu.pipeline_mode<synchronous>, transform_indices = @transform_11, window_bounds = array<i64: 1024, 128>}]} {
    %eq3A = arith.constant 0 : i32
    %eq3A_0 = arith.cmpi eq, %arg0, %eq3A : i32
    %convert_element_type3A = arith.extui %eq3A_0 : i1 to i32
    %cond3A = arith.constant 0 : i32
    %cond3A_1 = arith.cmpi ne, %convert_element_type3A, %cond3A : i32
    scf.if %cond3A_1 {
      %get3A_257 = arith.constant 0 : index
      %get3A_258 = arith.constant 0 : index
      %get3A_259 = vector.load %arg2[%get3A_257, %get3A_258] : memref<1024x128xf32, #tpu.memory_space<vmem>>, vector<1024x128xf32>
      %swap3A_260 = arith.constant 0 : index
      %swap3A_261 = arith.constant 0 : index
      %swap3A_262 = vector.load %arg13[%swap3A_260, %swap3A_261] : memref<1024x128xf32, #tpu.memory_space<vmem>>, vector<1024x128xf32>
      tpu.vector_store %arg13[%swap3A_260, %swap3A_261], %get3A_259 {strides = array<i32>} : memref<1024x128xf32, #tpu.memory_space<vmem>>, vector<1024x128xf32>,
      %get3A_263 = arith.constant 0 : index
      %get3A_264 = arith.constant 0 : index
      %get3A_265 = vector.load %arg3[%get3A_263, %get3A_264] : memref<1024x128xf32, #tpu.memory_space<vmem>>, vector<1024x128xf32>
      %swap3A_266 = arith.constant 0 : index
      %swap3A_267 = arith.constant 0 : index
      %swap3A_268 = vector.load %arg14[%swap3A_266, %swap3A_267] : memref<1024x128xf32, #tpu.memory_space<vmem>>, vector<1024x128xf32>
      tpu.vector_store %arg14[%swap3A_266, %swap3A_267], %get3A_265 {strides = array<i32>} : memref<1024x128xf32, #tpu.memory_space<vmem>>, vector<1024x128xf32>,
    } else {
    }
    %get3A = arith.constant 0 : index
    %get3A_2 = arith.constant 0 : index
    %get3A_3 = vector.load %arg13[%get3A, %get3A_2] : memref<1024x128xf32, #tpu.memory_space<vmem>>, vector<1024x128xf32>
    %get3A_4 = arith.constant 0 : index
    %get3A_5 = arith.constant 0 : index
    %get3A_6 = vector.load %arg14[%get3A_4, %get3A_5] : memref<1024x128xf32, #tpu.memory_space<vmem>>, vector<1024x128xf32>
    %get3A_7 = arith.constant 0 : index
    %get3A_8 = arith.constant 0 : index
    %get3A_9 = vector.load %arg8[%get3A_7, %get3A_8] : memref<1x128xf32, #tpu.memory_space<vmem>>, vector<1x128xf32>
    %get3A_10 = arith.constant 0 : index
    %get3A_11 = arith.constant 0 : index
    %get3A_12 = vector.load %arg1[%get3A_10, %get3A_11] : memref<10240x128xf32, #tpu.memory_space<vmem>>, vector<1024x128xf32>
    %get3A_13 = arith.constant 0 : index
    %get3A_14 = arith.constant 0 : index
    %get3A_15 = vector.load %arg4[%get3A_13, %get3A_14] : memref<128x128xf32, #tpu.memory_space<vmem>>, vector<128x128xf32>
    %dot_general3A = arith.constant dense<0.000000e+00> : vector<1024x128xf32>
    %dot_general3A_16 = tpu.matmul %get3A_3, %get3A_15, %dot_general3A {dimension_numbers = #tpu.dot_dimension_numbers<[1], [0], [0], [1], [0, 0, 1, 1], [], []>, transpose_lhs_hint = false} : vector<1024x128xf32>, vector<128x128xf32>, vector<1024x128xf32> -> vector<1024x128xf32>
    %add3A = arith.addf %get3A_12, %dot_general3A_16 : vector<1024x128xf32>
    %tanh3A = math.tanh %add3A : vector<1024x128xf32>
    %get3A_17 = arith.constant 0 : index
    %get3A_18 = arith.constant 0 : index
    %get3A_19 = vector.load %arg5[%get3A_17, %get3A_18] : memref<128x128xf32, #tpu.memory_space<vmem>>, vector<128x128xf32>
    %dot_general3A_20 = arith.constant dense<0.000000e+00> : vector<1024x128xf32>
    %dot_general3A_21 = tpu.matmul %tanh3A, %get3A_19, %dot_general3A_20 {dimension_numbers = #tpu.dot_dimension_numbers<[1], [0], [0], [1], [0, 0, 1, 1], [], []>, transpose_lhs_hint = false} : vector<1024x128xf32>, vector<128x128xf32>, vector<1024x128xf32> -> vector<1024x128xf32>
    %add3A_22 = vector.broadcast %get3A_9 : vector<1x128xf32> to vector<1024x128xf32>
    %add3A_23 = arith.addf %dot_general3A_21, %add3A_22 : vector<1024x128xf32>
    %get3A_24 = arith.constant 0 : index
    %get3A_25 = arith.constant 0 : index
    %get3A_26 = vector.load %arg6[%get3A_24, %get3A_25] : memref<128x128xf32, #tpu.memory_space<vmem>>, vector<128x128xf32>
    %dot_general3A_27 = arith.constant dense<0.000000e+00> : vector<1024x128xf32>
    %dot_general3A_28 = tpu.matmul %get3A_6, %get3A_26, %dot_general3A_27 {dimension_numbers = #tpu.dot_dimension_numbers<[1], [0], [0], [1], [0, 0, 1, 1], [], []>, transpose_lhs_hint = false} : vector<1024x128xf32>, vector<128x128xf32>, vector<1024x128xf32> -> vector<1024x128xf32>
    %add3A_29 = arith.addf %add3A_23, %dot_general3A_28 : vector<1024x128xf32>
    %tanh3A_30 = math.tanh %add3A_29 : vector<1024x128xf32>
    %get3A_31 = arith.constant 1024 : index
    %get3A_32 = arith.constant 0 : index
    %get3A_33 = vector.load %arg1[%get3A_31, %get3A_32] : memref<10240x128xf32, #tpu.memory_space<vmem>>, vector<1024x128xf32>
    %get3A_34 = arith.constant 0 : index
    %get3A_35 = arith.constant 0 : index
    %get3A_36 = vector.load %arg4[%get3A_34, %get3A_35] : memref<128x128xf32, #tpu.memory_space<vmem>>, vector<128x128xf32>
    %dot_general3A_37 = arith.constant dense<0.000000e+00> : vector<1024x128xf32>
    %dot_general3A_38 = tpu.matmul %tanh3A, %get3A_36, %dot_general3A_37 {dimension_numbers = #tpu.dot_dimension_numbers<[1], [0], [0], [1], [0, 0, 1, 1], [], []>, transpose_lhs_hint = false} : vector<1024x128xf32>, vector<128x128xf32>, vector<1024x128xf32> -> vector<1024x128xf32>
    %add3A_39 = arith.addf %get3A_33, %dot_general3A_38 : vector<1024x128xf32>
    %tanh3A_40 = math.tanh %add3A_39 : vector<1024x128xf32>
    %get3A_41 = arith.constant 0 : index
    %get3A_42 = arith.constant 0 : index
    %get3A_43 = vector.load %arg5[%get3A_41, %get3A_42] : memref<128x128xf32, #tpu.memory_space<vmem>>, vector<128x128xf32>
    %dot_general3A_44 = arith.constant dense<0.000000e+00> : vector<1024x128xf32>
    %dot_general3A_45 = tpu.matmul %tanh3A_40, %get3A_43, %dot_general3A_44 {dimension_numbers = #tpu.dot_dimension_numbers<[1], [0], [0], [1], [0, 0, 1, 1], [], []>, transpose_lhs_hint = false} : vector<1024x128xf32>, vector<128x128xf32>, vector<1024x128xf32> -> vector<1024x128xf32>
    %add3A_46 = vector.broadcast %get3A_9 : vector<1x128xf32> to vector<1024x128xf32>
    %add3A_47 = arith.addf %dot_general3A_45, %add3A_46 : vector<1024x128xf32>
    %get3A_48 = arith.constant 0 : index
    %get3A_49 = arith.constant 0 : index
    %get3A_50 = vector.load %arg6[%get3A_48, %get3A_49] : memref<128x128xf32, #tpu.memory_space<vmem>>, vector<128x128xf32>
    %dot_general3A_51 = arith.constant dense<0.000000e+00> : vector<1024x128xf32>
    %dot_general3A_52 = tpu.matmul %tanh3A_30, %get3A_50, %dot_general3A_51 {dimension_numbers = #tpu.dot_dimension_numbers<[1], [0], [0], [1], [0, 0, 1, 1], [], []>, transpose_lhs_hint = false} : vector<1024x128xf32>, vector<128x128xf32>, vector<1024x128xf32> -> vector<1024x128xf32>
    %add3A_53 = arith.addf %add3A_47, %dot_general3A_52 : vector<1024x128xf32>
    %tanh3A_54 = math.tanh %add3A_53 : vector<1024x128xf32>
    %get3A_55 = arith.constant 2048 : index
    %get3A_56 = arith.constant 0 : index
    %get3A_57 = vector.load %arg1[%get3A_55, %get3A_56] : memref<10240x128xf32, #tpu.memory_space<vmem>>, vector<1024x128xf32>
    %get3A_58 = arith.constant 0 : index
    %get3A_59 = arith.constant 0 : index
    %get3A_60 = vector.load %arg4[%get3A_58, %get3A_59] : memref<128x128xf32, #tpu.memory_space<vmem>>, vector<128x128xf32>
    %dot_general3A_61 = arith.constant dense<0.000000e+00> : vector<1024x128xf32>
    %dot_general3A_62 = tpu.matmul %tanh3A_40, %get3A_60, %dot_general3A_61 {dimension_numbers = #tpu.dot_dimension_numbers<[1], [0], [0], [1], [0, 0, 1, 1], [], []>, transpose_lhs_hint = false} : vector<1024x128xf32>, vector<128x128xf32>, vector<1024x128xf32> -> vector<1024x128xf32>
    %add3A_63 = arith.addf %get3A_57, %dot_general3A_62 : vector<1024x128xf32>
    %tanh3A_64 = math.tanh %add3A_63 : vector<1024x128xf32>
    %get3A_65 = arith.constant 0 : index
    %get3A_66 = arith.constant 0 : index
    %get3A_67 = vector.load %arg5[%get3A_65, %get3A_66] : memref<128x128xf32, #tpu.memory_space<vmem>>, vector<128x128xf32>
    %dot_general3A_68 = arith.constant dense<0.000000e+00> : vector<1024x128xf32>
    %dot_general3A_69 = tpu.matmul %tanh3A_64, %get3A_67, %dot_general3A_68 {dimension_numbers = #tpu.dot_dimension_numbers<[1], [0], [0], [1], [0, 0, 1, 1], [], []>, transpose_lhs_hint = false} : vector<1024x128xf32>, vector<128x128xf32>, vector<1024x128xf32> -> vector<1024x128xf32>
    %add3A_70 = vector.broadcast %get3A_9 : vector<1x128xf32> to vector<1024x128xf32>
    %add3A_71 = arith.addf %dot_general3A_69, %add3A_70 : vector<1024x128xf32>
    %get3A_72 = arith.constant 0 : index
    %get3A_73 = arith.constant 0 : index
    %get3A_74 = vector.load %arg6[%get3A_72, %get3A_73] : memref<128x128xf32, #tpu.memory_space<vmem>>, vector<128x128xf32>
    %dot_general3A_75 = arith.constant dense<0.000000e+00> : vector<1024x128xf32>
    %dot_general3A_76 = tpu.matmul %tanh3A_54, %get3A_74, %dot_general3A_75 {dimension_numbers = #tpu.dot_dimension_numbers<[1], [0], [0], [1], [0, 0, 1, 1], [], []>, transpose_lhs_hint = false} : vector<1024x128xf32>, vector<128x128xf32>, vector<1024x128xf32> -> vector<1024x128xf32>
    %add3A_77 = arith.addf %add3A_71, %dot_general3A_76 : vector<1024x128xf32>
    %tanh3A_78 = math.tanh %add3A_77 : vector<1024x128xf32>
    %get3A_79 = arith.constant 3072 : index
    %get3A_80 = arith.constant 0 : index
    %get3A_81 = vector.load %arg1[%get3A_79, %get3A_80] : memref<10240x128xf32, #tpu.memory_space<vmem>>, vector<1024x128xf32>
    %get3A_82 = arith.constant 0 : index
    %get3A_83 = arith.constant 0 : index
    %get3A_84 = vector.load %arg4[%get3A_82, %get3A_83] : memref<128x128xf32, #tpu.memory_space<vmem>>, vector<128x128xf32>
    %dot_general3A_85 = arith.constant dense<0.000000e+00> : vector<1024x128xf32>
    %dot_general3A_86 = tpu.matmul %tanh3A_64, %get3A_84, %dot_general3A_85 {dimension_numbers = #tpu.dot_dimension_numbers<[1], [0], [0], [1], [0, 0, 1, 1], [], []>, transpose_lhs_hint = false} : vector<1024x128xf32>, vector<128x128xf32>, vector<1024x128xf32> -> vector<1024x128xf32>
    %add3A_87 = arith.addf %get3A_81, %dot_general3A_86 : vector<1024x128xf32>
    %tanh3A_88 = math.tanh %add3A_87 : vector<1024x128xf32>
    %get3A_89 = arith.constant 0 : index
    %get3A_90 = arith.constant 0 : index
    %get3A_91 = vector.load %arg5[%get3A_89, %get3A_90] : memref<128x128xf32, #tpu.memory_space<vmem>>, vector<128x128xf32>
    %dot_general3A_92 = arith.constant dense<0.000000e+00> : vector<1024x128xf32>
    %dot_general3A_93 = tpu.matmul %tanh3A_88, %get3A_91, %dot_general3A_92 {dimension_numbers = #tpu.dot_dimension_numbers<[1], [0], [0], [1], [0, 0, 1, 1], [], []>, transpose_lhs_hint = false} : vector<1024x128xf32>, vector<128x128xf32>, vector<1024x128xf32> -> vector<1024x128xf32>
    %add3A_94 = vector.broadcast %get3A_9 : vector<1x128xf32> to vector<1024x128xf32>
    %add3A_95 = arith.addf %dot_general3A_93, %add3A_94 : vector<1024x128xf32>
    %get3A_96 = arith.constant 0 : index
    %get3A_97 = arith.constant 0 : index
    %get3A_98 = vector.load %arg6[%get3A_96, %get3A_97] : memref<128x128xf32, #tpu.memory_space<vmem>>, vector<128x128xf32>
    %dot_general3A_99 = arith.constant dense<0.000000e+00> : vector<1024x128xf32>
    %dot_general3A_100 = tpu.matmul %tanh3A_78, %get3A_98, %dot_general3A_99 {dimension_numbers = #tpu.dot_dimension_numbers<[1], [0], [0], [1], [0, 0, 1, 1], [], []>, transpose_lhs_hint = false} : vector<1024x128xf32>, vector<128x128xf32>, vector<1024x128xf32> -> vector<1024x128xf32>
    %add3A_101 = arith.addf %add3A_95, %dot_general3A_100 : vector<1024x128xf32>
    %tanh3A_102 = math.tanh %add3A_101 : vector<1024x128xf32>
    %get3A_103 = arith.constant 4096 : index
    %get3A_104 = arith.constant 0 : index
    %get3A_105 = vector.load %arg1[%get3A_103, %get3A_104] : memref<10240x128xf32, #tpu.memory_space<vmem>>, vector<1024x128xf32>
    %get3A_106 = arith.constant 0 : index
    %get3A_107 = arith.constant 0 : index
    %get3A_108 = vector.load %arg4[%get3A_106, %get3A_107] : memref<128x128xf32, #tpu.memory_space<vmem>>, vector<128x128xf32>
    %dot_general3A_109 = arith.constant dense<0.000000e+00> : vector<1024x128xf32>
    %dot_general3A_110 = tpu.matmul %tanh3A_88, %get3A_108, %dot_general3A_109 {dimension_numbers = #tpu.dot_dimension_numbers<[1], [0], [0], [1], [0, 0, 1, 1], [], []>, transpose_lhs_hint = false} : vector<1024x128xf32>, vector<128x128xf32>, vector<1024x128xf32> -> vector<1024x128xf32>
    %add3A_111 = arith.addf %get3A_105, %dot_general3A_110 : vector<1024x128xf32>
    %tanh3A_112 = math.tanh %add3A_111 : vector<1024x128xf32>
    %get3A_113 = arith.constant 0 : index
    %get3A_114 = arith.constant 0 : index
    %get3A_115 = vector.load %arg5[%get3A_113, %get3A_114] : memref<128x128xf32, #tpu.memory_space<vmem>>, vector<128x128xf32>
    %dot_general3A_116 = arith.constant dense<0.000000e+00> : vector<1024x128xf32>
    %dot_general3A_117 = tpu.matmul %tanh3A_112, %get3A_115, %dot_general3A_116 {dimension_numbers = #tpu.dot_dimension_numbers<[1], [0], [0], [1], [0, 0, 1, 1], [], []>, transpose_lhs_hint = false} : vector<1024x128xf32>, vector<128x128xf32>, vector<1024x128xf32> -> vector<1024x128xf32>
    %add3A_118 = vector.broadcast %get3A_9 : vector<1x128xf32> to vector<1024x128xf32>
    %add3A_119 = arith.addf %dot_general3A_117, %add3A_118 : vector<1024x128xf32>
    %get3A_120 = arith.constant 0 : index
    %get3A_121 = arith.constant 0 : index
    %get3A_122 = vector.load %arg6[%get3A_120, %get3A_121] : memref<128x128xf32, #tpu.memory_space<vmem>>, vector<128x128xf32>
    %dot_general3A_123 = arith.constant dense<0.000000e+00> : vector<1024x128xf32>
    %dot_general3A_124 = tpu.matmul %tanh3A_102, %get3A_122, %dot_general3A_123 {dimension_numbers = #tpu.dot_dimension_numbers<[1], [0], [0], [1], [0, 0, 1, 1], [], []>, transpose_lhs_hint = false} : vector<1024x128xf32>, vector<128x128xf32>, vector<1024x128xf32> -> vector<1024x128xf32>
    %add3A_125 = arith.addf %add3A_119, %dot_general3A_124 : vector<1024x128xf32>
    %tanh3A_126 = math.tanh %add3A_125 : vector<1024x128xf32>
    %get3A_127 = arith.constant 5120 : index
    %get3A_128 = arith.constant 0 : index
    %get3A_129 = vector.load %arg1[%get3A_127, %get3A_128] : memref<10240x128xf32, #tpu.memory_space<vmem>>, vector<1024x128xf32>
    %get3A_130 = arith.constant 0 : index
    %get3A_131 = arith.constant 0 : index
    %get3A_132 = vector.load %arg4[%get3A_130, %get3A_131] : memref<128x128xf32, #tpu.memory_space<vmem>>, vector<128x128xf32>
    %dot_general3A_133 = arith.constant dense<0.000000e+00> : vector<1024x128xf32>
    %dot_general3A_134 = tpu.matmul %tanh3A_112, %get3A_132, %dot_general3A_133 {dimension_numbers = #tpu.dot_dimension_numbers<[1], [0], [0], [1], [0, 0, 1, 1], [], []>, transpose_lhs_hint = false} : vector<1024x128xf32>, vector<128x128xf32>, vector<1024x128xf32> -> vector<1024x128xf32>
    %add3A_135 = arith.addf %get3A_129, %dot_general3A_134 : vector<1024x128xf32>
    %tanh3A_136 = math.tanh %add3A_135 : vector<1024x128xf32>
    %get3A_137 = arith.constant 0 : index
    %get3A_138 = arith.constant 0 : index
    %get3A_139 = vector.load %arg5[%get3A_137, %get3A_138] : memref<128x128xf32, #tpu.memory_space<vmem>>, vector<128x128xf32>
    %dot_general3A_140 = arith.constant dense<0.000000e+00> : vector<1024x128xf32>
    %dot_general3A_141 = tpu.matmul %tanh3A_136, %get3A_139, %dot_general3A_140 {dimension_numbers = #tpu.dot_dimension_numbers<[1], [0], [0], [1], [0, 0, 1, 1], [], []>, transpose_lhs_hint = false} : vector<1024x128xf32>, vector<128x128xf32>, vector<1024x128xf32> -> vector<1024x128xf32>
    %add3A_142 = vector.broadcast %get3A_9 : vector<1x128xf32> to vector<1024x128xf32>
    %add3A_143 = arith.addf %dot_general3A_141, %add3A_142 : vector<1024x128xf32>
    %get3A_144 = arith.constant 0 : index
    %get3A_145 = arith.constant 0 : index
    %get3A_146 = vector.load %arg6[%get3A_144, %get3A_145] : memref<128x128xf32, #tpu.memory_space<vmem>>, vector<128x128xf32>
    %dot_general3A_147 = arith.constant dense<0.000000e+00> : vector<1024x128xf32>
    %dot_general3A_148 = tpu.matmul %tanh3A_126, %get3A_146, %dot_general3A_147 {dimension_numbers = #tpu.dot_dimension_numbers<[1], [0], [0], [1], [0, 0, 1, 1], [], []>, transpose_lhs_hint = false} : vector<1024x128xf32>, vector<128x128xf32>, vector<1024x128xf32> -> vector<1024x128xf32>
    %add3A_149 = arith.addf %add3A_143, %dot_general3A_148 : vector<1024x128xf32>
    %tanh3A_150 = math.tanh %add3A_149 : vector<1024x128xf32>
    %get3A_151 = arith.constant 6144 : index
    %get3A_152 = arith.constant 0 : index
    %get3A_153 = vector.load %arg1[%get3A_151, %get3A_152] : memref<10240x128xf32, #tpu.memory_space<vmem>>, vector<1024x128xf32>
    %get3A_154 = arith.constant 0 : index
    %get3A_155 = arith.constant 0 : index
    %get3A_156 = vector.load %arg4[%get3A_154, %get3A_155] : memref<128x128xf32, #tpu.memory_space<vmem>>, vector<128x128xf32>
    %dot_general3A_157 = arith.constant dense<0.000000e+00> : vector<1024x128xf32>
    %dot_general3A_158 = tpu.matmul %tanh3A_136, %get3A_156, %dot_general3A_157 {dimension_numbers = #tpu.dot_dimension_numbers<[1], [0], [0], [1], [0, 0, 1, 1], [], []>, transpose_lhs_hint = false} : vector<1024x128xf32>, vector<128x128xf32>, vector<1024x128xf32> -> vector<1024x128xf32>
    %add3A_159 = arith.addf %get3A_153, %dot_general3A_158 : vector<1024x128xf32>
    %tanh3A_160 = math.tanh %add3A_159 : vector<1024x128xf32>
    %get3A_161 = arith.constant 0 : index
    %get3A_162 = arith.constant 0 : index
    %get3A_163 = vector.load %arg5[%get3A_161, %get3A_162] : memref<128x128xf32, #tpu.memory_space<vmem>>, vector<128x128xf32>
    %dot_general3A_164 = arith.constant dense<0.000000e+00> : vector<1024x128xf32>
    %dot_general3A_165 = tpu.matmul %tanh3A_160, %get3A_163, %dot_general3A_164 {dimension_numbers = #tpu.dot_dimension_numbers<[1], [0], [0], [1], [0, 0, 1, 1], [], []>, transpose_lhs_hint = false} : vector<1024x128xf32>, vector<128x128xf32>, vector<1024x128xf32> -> vector<1024x128xf32>
    %add3A_166 = vector.broadcast %get3A_9 : vector<1x128xf32> to vector<1024x128xf32>
    %add3A_167 = arith.addf %dot_general3A_165, %add3A_166 : vector<1024x128xf32>
    %get3A_168 = arith.constant 0 : index
    %get3A_169 = arith.constant 0 : index
    %get3A_170 = vector.load %arg6[%get3A_168, %get3A_169] : memref<128x128xf32, #tpu.memory_space<vmem>>, vector<128x128xf32>
    %dot_general3A_171 = arith.constant dense<0.000000e+00> : vector<1024x128xf32>
    %dot_general3A_172 = tpu.matmul %tanh3A_150, %get3A_170, %dot_general3A_171 {dimension_numbers = #tpu.dot_dimension_numbers<[1], [0], [0], [1], [0, 0, 1, 1], [], []>, transpose_lhs_hint = false} : vector<1024x128xf32>, vector<128x128xf32>, vector<1024x128xf32> -> vector<1024x128xf32>
    %add3A_173 = arith.addf %add3A_167, %dot_general3A_172 : vector<1024x128xf32>
    %tanh3A_174 = math.tanh %add3A_173 : vector<1024x128xf32>
    %get3A_175 = arith.constant 7168 : index
    %get3A_176 = arith.constant 0 : index
    %get3A_177 = vector.load %arg1[%get3A_175, %get3A_176] : memref<10240x128xf32, #tpu.memory_space<vmem>>, vector<1024x128xf32>
    %get3A_178 = arith.constant 0 : index
    %get3A_179 = arith.constant 0 : index
    %get3A_180 = vector.load %arg4[%get3A_178, %get3A_179] : memref<128x128xf32, #tpu.memory_space<vmem>>, vector<128x128xf32>
    %dot_general3A_181 = arith.constant dense<0.000000e+00> : vector<1024x128xf32>
    %dot_general3A_182 = tpu.matmul %tanh3A_160, %get3A_180, %dot_general3A_181 {dimension_numbers = #tpu.dot_dimension_numbers<[1], [0], [0], [1], [0, 0, 1, 1], [], []>, transpose_lhs_hint = false} : vector<1024x128xf32>, vector<128x128xf32>, vector<1024x128xf32> -> vector<1024x128xf32>
    %add3A_183 = arith.addf %get3A_177, %dot_general3A_182 : vector<1024x128xf32>
    %tanh3A_184 = math.tanh %add3A_183 : vector<1024x128xf32>
    %get3A_185 = arith.constant 0 : index
    %get3A_186 = arith.constant 0 : index
    %get3A_187 = vector.load %arg5[%get3A_185, %get3A_186] : memref<128x128xf32, #tpu.memory_space<vmem>>, vector<128x128xf32>
    %dot_general3A_188 = arith.constant dense<0.000000e+00> : vector<1024x128xf32>
    %dot_general3A_189 = tpu.matmul %tanh3A_184, %get3A_187, %dot_general3A_188 {dimension_numbers = #tpu.dot_dimension_numbers<[1], [0], [0], [1], [0, 0, 1, 1], [], []>, transpose_lhs_hint = false} : vector<1024x128xf32>, vector<128x128xf32>, vector<1024x128xf32> -> vector<1024x128xf32>
    %add3A_190 = vector.broadcast %get3A_9 : vector<1x128xf32> to vector<1024x128xf32>
    %add3A_191 = arith.addf %dot_general3A_189, %add3A_190 : vector<1024x128xf32>
    %get3A_192 = arith.constant 0 : index
    %get3A_193 = arith.constant 0 : index
    %get3A_194 = vector.load %arg6[%get3A_192, %get3A_193] : memref<128x128xf32, #tpu.memory_space<vmem>>, vector<128x128xf32>
    %dot_general3A_195 = arith.constant dense<0.000000e+00> : vector<1024x128xf32>
    %dot_general3A_196 = tpu.matmul %tanh3A_174, %get3A_194, %dot_general3A_195 {dimension_numbers = #tpu.dot_dimension_numbers<[1], [0], [0], [1], [0, 0, 1, 1], [], []>, transpose_lhs_hint = false} : vector<1024x128xf32>, vector<128x128xf32>, vector<1024x128xf32> -> vector<1024x128xf32>
    %add3A_197 = arith.addf %add3A_191, %dot_general3A_196 : vector<1024x128xf32>
    %tanh3A_198 = math.tanh %add3A_197 : vector<1024x128xf32>
    %get3A_199 = arith.constant 8192 : index
    %get3A_200 = arith.constant 0 : index
    %get3A_201 = vector.load %arg1[%get3A_199, %get3A_200] : memref<10240x128xf32, #tpu.memory_space<vmem>>, vector<1024x128xf32>
    %get3A_202 = arith.constant 0 : index
    %get3A_203 = arith.constant 0 : index
    %get3A_204 = vector.load %arg4[%get3A_202, %get3A_203] : memref<128x128xf32, #tpu.memory_space<vmem>>, vector<128x128xf32>
    %dot_general3A_205 = arith.constant dense<0.000000e+00> : vector<1024x128xf32>
    %dot_general3A_206 = tpu.matmul %tanh3A_184, %get3A_204, %dot_general3A_205 {dimension_numbers = #tpu.dot_dimension_numbers<[1], [0], [0], [1], [0, 0, 1, 1], [], []>, transpose_lhs_hint = false} : vector<1024x128xf32>, vector<128x128xf32>, vector<1024x128xf32> -> vector<1024x128xf32>
    %add3A_207 = arith.addf %get3A_201, %dot_general3A_206 : vector<1024x128xf32>
    %tanh3A_208 = math.tanh %add3A_207 : vector<1024x128xf32>
    %get3A_209 = arith.constant 0 : index
    %get3A_210 = arith.constant 0 : index
    %get3A_211 = vector.load %arg5[%get3A_209, %get3A_210] : memref<128x128xf32, #tpu.memory_space<vmem>>, vector<128x128xf32>
    %dot_general3A_212 = arith.constant dense<0.000000e+00> : vector<1024x128xf32>
    %dot_general3A_213 = tpu.matmul %tanh3A_208, %get3A_211, %dot_general3A_212 {dimension_numbers = #tpu.dot_dimension_numbers<[1], [0], [0], [1], [0, 0, 1, 1], [], []>, transpose_lhs_hint = false} : vector<1024x128xf32>, vector<128x128xf32>, vector<1024x128xf32> -> vector<1024x128xf32>
    %add3A_214 = vector.broadcast %get3A_9 : vector<1x128xf32> to vector<1024x128xf32>
    %add3A_215 = arith.addf %dot_general3A_213, %add3A_214 : vector<1024x128xf32>
    %get3A_216 = arith.constant 0 : index
    %get3A_217 = arith.constant 0 : index
    %get3A_218 = vector.load %arg6[%get3A_216, %get3A_217] : memref<128x128xf32, #tpu.memory_space<vmem>>, vector<128x128xf32>
    %dot_general3A_219 = arith.constant dense<0.000000e+00> : vector<1024x128xf32>
    %dot_general3A_220 = tpu.matmul %tanh3A_198, %get3A_218, %dot_general3A_219 {dimension_numbers = #tpu.dot_dimension_numbers<[1], [0], [0], [1], [0, 0, 1, 1], [], []>, transpose_lhs_hint = false} : vector<1024x128xf32>, vector<128x128xf32>, vector<1024x128xf32> -> vector<1024x128xf32>
    %add3A_221 = arith.addf %add3A_215, %dot_general3A_220 : vector<1024x128xf32>
    %tanh3A_222 = math.tanh %add3A_221 : vector<1024x128xf32>
    %get3A_223 = arith.constant 9216 : index
    %get3A_224 = arith.constant 0 : index
    %get3A_225 = vector.load %arg1[%get3A_223, %get3A_224] : memref<10240x128xf32, #tpu.memory_space<vmem>>, vector<1024x128xf32>
    %get3A_226 = arith.constant 0 : index
    %get3A_227 = arith.constant 0 : index
    %get3A_228 = vector.load %arg4[%get3A_226, %get3A_227] : memref<128x128xf32, #tpu.memory_space<vmem>>, vector<128x128xf32>
    %dot_general3A_229 = arith.constant dense<0.000000e+00> : vector<1024x128xf32>
    %dot_general3A_230 = tpu.matmul %tanh3A_208, %get3A_228, %dot_general3A_229 {dimension_numbers = #tpu.dot_dimension_numbers<[1], [0], [0], [1], [0, 0, 1, 1], [], []>, transpose_lhs_hint = false} : vector<1024x128xf32>, vector<128x128xf32>, vector<1024x128xf32> -> vector<1024x128xf32>
    %add3A_231 = arith.addf %get3A_225, %dot_general3A_230 : vector<1024x128xf32>
    %tanh3A_232 = math.tanh %add3A_231 : vector<1024x128xf32>
    %get3A_233 = arith.constant 0 : index
    %get3A_234 = arith.constant 0 : index
    %get3A_235 = vector.load %arg5[%get3A_233, %get3A_234] : memref<128x128xf32, #tpu.memory_space<vmem>>, vector<128x128xf32>
    %dot_general3A_236 = arith.constant dense<0.000000e+00> : vector<1024x128xf32>
    %dot_general3A_237 = tpu.matmul %tanh3A_232, %get3A_235, %dot_general3A_236 {dimension_numbers = #tpu.dot_dimension_numbers<[1], [0], [0], [1], [0, 0, 1, 1], [], []>, transpose_lhs_hint = false} : vector<1024x128xf32>, vector<128x128xf32>, vector<1024x128xf32> -> vector<1024x128xf32>
    %add3A_238 = vector.broadcast %get3A_9 : vector<1x128xf32> to vector<1024x128xf32>
    %add3A_239 = arith.addf %dot_general3A_237, %add3A_238 : vector<1024x128xf32>
    %get3A_240 = arith.constant 0 : index
    %get3A_241 = arith.constant 0 : index
    %get3A_242 = vector.load %arg6[%get3A_240, %get3A_241] : memref<128x128xf32, #tpu.memory_space<vmem>>, vector<128x128xf32>
    %dot_general3A_243 = arith.constant dense<0.000000e+00> : vector<1024x128xf32>
    %dot_general3A_244 = tpu.matmul %tanh3A_222, %get3A_242, %dot_general3A_243 {dimension_numbers = #tpu.dot_dimension_numbers<[1], [0], [0], [1], [0, 0, 1, 1], [], []>, transpose_lhs_hint = false} : vector<1024x128xf32>, vector<128x128xf32>, vector<1024x128xf32> -> vector<1024x128xf32>
    %add3A_245 = arith.addf %add3A_239, %dot_general3A_244 : vector<1024x128xf32>
    %tanh3A_246 = math.tanh %add3A_245 : vector<1024x128xf32>
    %swap3A = arith.constant 0 : index
    %swap3A_247 = arith.constant 0 : index
    %swap3A_248 = vector.load %arg13[%swap3A, %swap3A_247] : memref<1024x128xf32, #tpu.memory_space<vmem>>, vector<1024x128xf32>
    tpu.vector_store %arg13[%swap3A, %swap3A_247], %tanh3A_232 {strides = array<i32>} : memref<1024x128xf32, #tpu.memory_space<vmem>>, vector<1024x128xf32>,
    %swap3A_249 = arith.constant 0 : index
    %swap3A_250 = arith.constant 0 : index
    %swap3A_251 = vector.load %arg14[%swap3A_249, %swap3A_250] : memref<1024x128xf32, #tpu.memory_space<vmem>>, vector<1024x128xf32>
    tpu.vector_store %arg14[%swap3A_249, %swap3A_250], %tanh3A_246 {strides = array<i32>} : memref<1024x128xf32, #tpu.memory_space<vmem>>, vector<1024x128xf32>,
    %eq3A_252 = arith.constant 9 : i32
    %eq3A_253 = arith.cmpi eq, %arg0, %eq3A_252 : i32
    %convert_element_type3A_254 = arith.extui %eq3A_253 : i1 to i32
    %cond3A_255 = arith.constant 0 : i32
    %cond3A_256 = arith.cmpi ne, %convert_element_type3A_254, %cond3A_255 : i32
    scf.if %cond3A_256 {
      %swap3A_257 = arith.constant 0 : index
      %swap3A_258 = arith.constant 0 : index
      %swap3A_259 = vector.load %arg11[%swap3A_257, %swap3A_258] : memref<1024x128xf32, #tpu.memory_space<vmem>>, vector<1024x128xf32>
      tpu.vector_store %arg11[%swap3A_257, %swap3A_258], %tanh3A_232 {strides = array<i32>} : memref<1024x128xf32, #tpu.memory_space<vmem>>, vector<1024x128xf32>,
      %swap3A_260 = arith.constant 0 : index
      %swap3A_261 = arith.constant 0 : index
      %swap3A_262 = vector.load %arg12[%swap3A_260, %swap3A_261] : memref<1024x128xf32, #tpu.memory_space<vmem>>, vector<1024x128xf32>
      tpu.vector_store %arg12[%swap3A_260, %swap3A_261], %tanh3A_246 {strides = array<i32>} : memref<1024x128xf32, #tpu.memory_space<vmem>>, vector<1024x128xf32>,
      %get3A_263 = arith.constant 0 : index
      %get3A_264 = arith.constant 0 : index
      %get3A_265 = vector.load %arg7[%get3A_263, %get3A_264] : memref<128x20xf32, #tpu.memory_space<vmem>>, vector<128x20xf32>
      %dot_general3A_266 = arith.constant dense<0.000000e+00> : vector<1024x20xf32>
      %dot_general3A_267 = tpu.matmul %tanh3A_246, %get3A_265, %dot_general3A_266 {dimension_numbers = #tpu.dot_dimension_numbers<[1], [0], [0], [1], [0, 0, 1, 1], [], []>, transpose_lhs_hint = false} : vector<1024x128xf32>, vector<128x20xf32>, vector<1024x20xf32> -> vector<1024x20xf32>
      %get3A_268 = arith.constant 0 : index
      %get3A_269 = arith.constant 0 : index
      %get3A_270 = vector.load %arg9[%get3A_268, %get3A_269] : memref<1x20xf32, #tpu.memory_space<vmem>>, vector<1x20xf32>
      %add3A_271 = vector.broadcast %get3A_270 : vector<1x20xf32> to vector<1024x20xf32>
      %add3A_272 = arith.addf %dot_general3A_267, %add3A_271 : vector<1024x20xf32>
      %swap3A_273 = arith.constant 0 : index
      %swap3A_274 = arith.constant 0 : index
      %swap3A_275 = vector.load %arg10[%swap3A_273, %swap3A_274] : memref<1024x20xf32, #tpu.memory_space<vmem>>, vector<1024x20xf32>
      tpu.vector_store %arg10[%swap3A_273, %swap3A_274], %add3A_272 {strides = array<i32>} : memref<1024x20xf32, #tpu.memory_space<vmem>>, vector<1024x20xf32>,
    } else {
    }
    return
  }
  func.func @transform_0(%arg0: i32) -> (i32, i32) {
    %c0_i32 = arith.constant 0 : i32
    %c0_i32_0 = arith.constant 0 : i32
    return %arg0, %c0_i32 : i32, i32
  }
  func.func @transform_1(%arg0: i32) -> (i32, i32) {
    %c0_i32 = arith.constant 0 : i32
    %c0_i32_0 = arith.constant 0 : i32
    %c0_i32_1 = arith.constant 0 : i32
    return %c0_i32, %c0_i32_0 : i32, i32
  }
  func.func @transform_2(%arg0: i32) -> (i32, i32) {
    %c0_i32 = arith.constant 0 : i32
    %c0_i32_0 = arith.constant 0 : i32
    %c0_i32_1 = arith.constant 0 : i32
    return %c0_i32, %c0_i32_0 : i32, i32
  }
  func.func @transform_3(%arg0: i32) -> (i32, i32) {
    %c0_i32 = arith.constant 0 : i32
    %c0_i32_0 = arith.constant 0 : i32
    %c0_i32_1 = arith.constant 0 : i32
    return %c0_i32, %c0_i32_0 : i32, i32
  }
  func.func @transform_4(%arg0: i32) -> (i32, i32) {
    %c0_i32 = arith.constant 0 : i32
    %c0_i32_0 = arith.constant 0 : i32
    %c0_i32_1 = arith.constant 0 : i32
    return %c0_i32, %c0_i32_0 : i32, i32
  }
  func.func @transform_5(%arg0: i32) -> (i32, i32) {
    %c0_i32 = arith.constant 0 : i32
    %c0_i32_0 = arith.constant 0 : i32
    %c0_i32_1 = arith.constant 0 : i32
    return %c0_i32, %c0_i32_0 : i32, i32
  }
  func.func @transform_6(%arg0: i32) -> (i32, i32) {
    %c0_i32 = arith.constant 0 : i32
    %c0_i32_0 = arith.constant 0 : i32
    %c0_i32_1 = arith.constant 0 : i32
    return %c0_i32, %c0_i32_0 : i32, i32
  }
  func.func @transform_7(%arg0: i32) -> (i32, i32) {
    %c0_i32 = arith.constant 0 : i32
    %c0_i32_0 = arith.constant 0 : i32
    %c0_i32_1 = arith.constant 0 : i32
    return %c0_i32, %c0_i32_0 : i32, i32
  }
  func.func @transform_8(%arg0: i32) -> (i32, i32) {
    %c0_i32 = arith.constant 0 : i32
    %c0_i32_0 = arith.constant 0 : i32
    %c0_i32_1 = arith.constant 0 : i32
    return %c0_i32, %c0_i32_0 : i32, i32
  }
  func.func @transform_9(%arg0: i32) -> (i32, i32) {
    %c0_i32 = arith.constant 0 : i32
    %c0_i32_0 = arith.constant 0 : i32
    %c0_i32_1 = arith.constant 0 : i32
    return %c0_i32, %c0_i32_0 : i32, i32
  }
  func.func @transform_10(%arg0: i32) -> (i32, i32) {
    %c0_i32 = arith.constant 0 : i32
    %c0_i32_0 = arith.constant 0 : i32
    %c0_i32_1 = arith.constant 0 : i32
    return %c0_i32, %c0_i32_0 : i32, i32
  }
  func.func @transform_11(%arg0: i32) -> (i32, i32) {
    %c0_i32 = arith.constant 0 : i32
    %c0_i32_0 = arith.constant 0 : i32
    %c0_i32_1 = arith.constant 0 : i32
    return %c0_i32, %c0_i32_0 : i32, i32
  }
}

module attributes {stable_mosaic.version = 14 : i64} {
  func.func @_rnn_body(%arg0: i32, %arg1: memref<10240x128xf32, #tpu.memory_space<vmem>>, %arg2: memref<1024x128xf32, #tpu.memory_space<vmem>>, %arg3: memref<1024x128xf32, #tpu.memory_space<vmem>>, %arg4: memref<128x128xf32, #tpu.memory_space<vmem>>, %arg5: memref<128x128xf32, #tpu.memory_space<vmem>>, %arg6: memref<128x128xf32, #tpu.memory_space<vmem>>, %arg7: memref<128x20xf32, #tpu.memory_space<vmem>>, %arg8: memref<1x128xf32, #tpu.memory_space<vmem>>, %arg9: memref<1x20xf32, #tpu.memory_space<vmem>>, %arg10: memref<1024x20xf32, #tpu.memory_space<vmem>>, %arg11: memref<1024x128xf32, #tpu.memory_space<vmem>>, %arg12: memref<1024x128xf32, #tpu.memory_space<vmem>>, %arg13: memref<1024x128xf32, #tpu.memory_space<vmem>>, %arg14: memref<1024x128xf32, #tpu.memory_space<vmem>>) attributes {dimension_semantics = [#tpu.dimension_semantics<arbitrary>], iteration_bounds = array<i64: 10>, scalar_prefetch = 0 : i64, scratch_operands = 2 : i64, tpu.core_type = #tpu.core_type<tc>, window_params = [{transform_indices = @transform_0, window_bounds = array<i64: 10240, 128>}, {pipeline_mode = #tpu.pipeline_mode<synchronous>, transform_indices = @transform_1, window_bounds = array<i64: 1024, 128>}, {pipeline_mode = #tpu.pipeline_mode<synchronous>, transform_indices = @transform_2, window_bounds = array<i64: 1024, 128>}, {pipeline_mode = #tpu.pipeline_mode<synchronous>, transform_indices = @transform_3, window_bounds = array<i64: 128, 128>}, {pipeline_mode = #tpu.pipeline_mode<synchronous>, transform_indices = @transform_4, window_bounds = array<i64: 128, 128>}, {pipeline_mode = #tpu.pipeline_mode<synchronous>, transform_indices = @transform_5, window_bounds = array<i64: 128, 128>}, {pipeline_mode = #tpu.pipeline_mode<synchronous>, transform_indices = @transform_6, window_bounds = array<i64: 128, 20>}, {pipeline_mode = #tpu.pipeline_mode<synchronous>, transform_indices = @transform_7, window_bounds = array<i64: 1, 128>}, {pipeline_mode = #tpu.pipeline_mode<synchronous>, transform_indices = @transform_8, window_bounds = array<i64: 1, 20>}, {pipeline_mode = #tpu.pipeline_mode<synchronous>, transform_indices = @transform_9, window_bounds = array<i64: 1024, 20>}, {pipeline_mode = #tpu.pipeline_mode<synchronous>, transform_indices = @transform_10, window_bounds = array<i64: 1024, 128>}, {pipeline_mode = #tpu.pipeline_mode<synchronous>, transform_indices = @transform_11, window_bounds = array<i64: 1024, 128>}]} {
    %eq3A = arith.constant 0 : i32
    %eq3A_0 = arith.cmpi eq, %arg0, %eq3A : i32
    %convert_element_type3A = arith.extui %eq3A_0 : i1 to i32
    %cond3A = arith.constant 0 : i32
    %cond3A_1 = arith.cmpi ne, %convert_element_type3A, %cond3A : i32
    scf.if %cond3A_1 {
      %get3A_257 = arith.constant 0 : index
      %get3A_258 = arith.constant 0 : index
      %get3A_259 = vector.load %arg2[%get3A_257, %get3A_258] : memref<1024x128xf32, #tpu.memory_space<vmem>>, vector<1024x128xf32>
      %swap3A_260 = arith.constant 0 : index
      %swap3A_261 = arith.constant 0 : index
      %swap3A_262 = vector.load %arg13[%swap3A_260, %swap3A_261] : memref<1024x128xf32, #tpu.memory_space<vmem>>, vector<1024x128xf32>
      tpu.vector_store %arg13[%swap3A_260, %swap3A_261], %get3A_259 {strides = array<i32>} : memref<1024x128xf32, #tpu.memory_space<vmem>>, vector<1024x128xf32>,
      %get3A_263 = arith.constant 0 : index
      %get3A_264 = arith.constant 0 : index
      %get3A_265 = vector.load %arg3[%get3A_263, %get3A_264] : memref<1024x128xf32, #tpu.memory_space<vmem>>, vector<1024x128xf32>
      %swap3A_266 = arith.constant 0 : index
      %swap3A_267 = arith.constant 0 : index
      %swap3A_268 = vector.load %arg14[%swap3A_266, %swap3A_267] : memref<1024x128xf32, #tpu.memory_space<vmem>>, vector<1024x128xf32>
      tpu.vector_store %arg14[%swap3A_266, %swap3A_267], %get3A_265 {strides = array<i32>} : memref<1024x128xf32, #tpu.memory_space<vmem>>, vector<1024x128xf32>,
    } else {
    }
    %get3A = arith.constant 0 : index
    %get3A_2 = arith.constant 0 : index
    %get3A_3 = vector.load %arg13[%get3A, %get3A_2] : memref<1024x128xf32, #tpu.memory_space<vmem>>, vector<1024x128xf32>
    %get3A_4 = arith.constant 0 : index
    %get3A_5 = arith.constant 0 : index
    %get3A_6 = vector.load %arg14[%get3A_4, %get3A_5] : memref<1024x128xf32, #tpu.memory_space<vmem>>, vector<1024x128xf32>
    %get3A_7 = arith.constant 0 : index
    %get3A_8 = arith.constant 0 : index
    %get3A_9 = vector.load %arg8[%get3A_7, %get3A_8] : memref<1x128xf32, #tpu.memory_space<vmem>>, vector<1x128xf32>
    %get3A_10 = arith.constant 0 : index
    %get3A_11 = arith.constant 0 : index
    %get3A_12 = vector.load %arg1[%get3A_10, %get3A_11] : memref<10240x128xf32, #tpu.memory_space<vmem>>, vector<1024x128xf32>
    %get3A_13 = arith.constant 0 : index
    %get3A_14 = arith.constant 0 : index
    %get3A_15 = vector.load %arg4[%get3A_13, %get3A_14] : memref<128x128xf32, #tpu.memory_space<vmem>>, vector<128x128xf32>
    %dot_general3A = arith.constant dense<0.000000e+00> : vector<1024x128xf32>
    %dot_general3A_16 = tpu.matmul %get3A_3, %get3A_15, %dot_general3A {dimension_numbers = #tpu.dot_dimension_numbers<[1], [0], [0], [1], [0, 0, 1, 1], [], []>, transpose_lhs_hint = false} : vector<1024x128xf32>, vector<128x128xf32>, vector<1024x128xf32> -> vector<1024x128xf32>
    %add3A = arith.addf %get3A_12, %dot_general3A_16 : vector<1024x128xf32>
    %tanh3A = math.tanh %add3A : vector<1024x128xf32>
    %get3A_17 = arith.constant 0 : index
    %get3A_18 = arith.constant 0 : index
    %get3A_19 = vector.load %arg5[%get3A_17, %get3A_18] : memref<128x128xf32, #tpu.memory_space<vmem>>, vector<128x128xf32>
    %dot_general3A_20 = arith.constant dense<0.000000e+00> : vector<1024x128xf32>
    %dot_general3A_21 = tpu.matmul %tanh3A, %get3A_19, %dot_general3A_20 {dimension_numbers = #tpu.dot_dimension_numbers<[1], [0], [0], [1], [0, 0, 1, 1], [], []>, transpose_lhs_hint = false} : vector<1024x128xf32>, vector<128x128xf32>, vector<1024x128xf32> -> vector<1024x128xf32>
    %add3A_22 = vector.broadcast %get3A_9 : vector<1x128xf32> to vector<1024x128xf32>
    %add3A_23 = arith.addf %dot_general3A_21, %add3A_22 : vector<1024x128xf32>
    %get3A_24 = arith.constant 0 : index
    %get3A_25 = arith.constant 0 : index
    %get3A_26 = vector.load %arg6[%get3A_24, %get3A_25] : memref<128x128xf32, #tpu.memory_space<vmem>>, vector<128x128xf32>
    %dot_general3A_27 = arith.constant dense<0.000000e+00> : vector<1024x128xf32>
    %dot_general3A_28 = tpu.matmul %get3A_6, %get3A_26, %dot_general3A_27 {dimension_numbers = #tpu.dot_dimension_numbers<[1], [0], [0], [1], [0, 0, 1, 1], [], []>, transpose_lhs_hint = false} : vector<1024x128xf32>, vector<128x128xf32>, vector<1024x128xf32> -> vector<1024x128xf32>
    %add3A_29 = arith.addf %add3A_23, %dot_general3A_28 : vector<1024x128xf32>
    %tanh3A_30 = math.tanh %add3A_29 : vector<1024x128xf32>
    %get3A_31 = arith.constant 1024 : index
    %get3A_32 = arith.constant 0 : index
    %get3A_33 = vector.load %arg1[%get3A_31, %get3A_32] : memref<10240x128xf32, #tpu.memory_space<vmem>>, vector<1024x128xf32>
    %get3A_34 = arith.constant 0 : index
    %get3A_35 = arith.constant 0 : index
    %get3A_36 = vector.load %arg4[%get3A_34, %get3A_35] : memref<128x128xf32, #tpu.memory_space<vmem>>, vector<128x128xf32>
    %dot_general3A_37 = arith.constant dense<0.000000e+00> : vector<1024x128xf32>
    %dot_general3A_38 = tpu.matmul %tanh3A, %get3A_36, %dot_general3A_37 {dimension_numbers = #tpu.dot_dimension_numbers<[1], [0], [0], [1], [0, 0, 1, 1], [], []>, transpose_lhs_hint = false} : vector<1024x128xf32>, vector<128x128xf32>, vector<1024x128xf32> -> vector<1024x128xf32>
    %add3A_39 = arith.addf %get3A_33, %dot_general3A_38 : vector<1024x128xf32>
    %tanh3A_40 = math.tanh %add3A_39 : vector<1024x128xf32>
    %get3A_41 = arith.constant 0 : index
    %get3A_42 = arith.constant 0 : index
    %get3A_43 = vector.load %arg5[%get3A_41, %get3A_42] : memref<128x128xf32, #tpu.memory_space<vmem>>, vector<128x128xf32>
    %dot_general3A_44 = arith.constant dense<0.000000e+00> : vector<1024x128xf32>
    %dot_general3A_45 = tpu.matmul %tanh3A_40, %get3A_43, %dot_general3A_44 {dimension_numbers = #tpu.dot_dimension_numbers<[1], [0], [0], [1], [0, 0, 1, 1], [], []>, transpose_lhs_hint = false} : vector<1024x128xf32>, vector<128x128xf32>, vector<1024x128xf32> -> vector<1024x128xf32>
    %add3A_46 = vector.broadcast %get3A_9 : vector<1x128xf32> to vector<1024x128xf32>
    %add3A_47 = arith.addf %dot_general3A_45, %add3A_46 : vector<1024x128xf32>
    %get3A_48 = arith.constant 0 : index
    %get3A_49 = arith.constant 0 : index
    %get3A_50 = vector.load %arg6[%get3A_48, %get3A_49] : memref<128x128xf32, #tpu.memory_space<vmem>>, vector<128x128xf32>
    %dot_general3A_51 = arith.constant dense<0.000000e+00> : vector<1024x128xf32>
    %dot_general3A_52 = tpu.matmul %tanh3A_30, %get3A_50, %dot_general3A_51 {dimension_numbers = #tpu.dot_dimension_numbers<[1], [0], [0], [1], [0, 0, 1, 1], [], []>, transpose_lhs_hint = false} : vector<1024x128xf32>, vector<128x128xf32>, vector<1024x128xf32> -> vector<1024x128xf32>
    %add3A_53 = arith.addf %add3A_47, %dot_general3A_52 : vector<1024x128xf32>
    %tanh3A_54 = math.tanh %add3A_53 : vector<1024x128xf32>
    %get3A_55 = arith.constant 2048 : index
    %get3A_56 = arith.constant 0 : index
    %get3A_57 = vector.load %arg1[%get3A_55, %get3A_56] : memref<10240x128xf32, #tpu.memory_space<vmem>>, vector<1024x128xf32>
    %get3A_58 = arith.constant 0 : index
    %get3A_59 = arith.constant 0 : index
    %get3A_60 = vector.load %arg4[%get3A_58, %get3A_59] : memref<128x128xf32, #tpu.memory_space<vmem>>, vector<128x128xf32>
    %dot_general3A_61 = arith.constant dense<0.000000e+00> : vector<1024x128xf32>
    %dot_general3A_62 = tpu.matmul %tanh3A_40, %get3A_60, %dot_general3A_61 {dimension_numbers = #tpu.dot_dimension_numbers<[1], [0], [0], [1], [0, 0, 1, 1], [], []>, transpose_lhs_hint = false} : vector<1024x128xf32>, vector<128x128xf32>, vector<1024x128xf32> -> vector<1024x128xf32>
    %add3A_63 = arith.addf %get3A_57, %dot_general3A_62 : vector<1024x128xf32>
    %tanh3A_64 = math.tanh %add3A_63 : vector<1024x128xf32>
    %get3A_65 = arith.constant 0 : index
    %get3A_66 = arith.constant 0 : index
    %get3A_67 = vector.load %arg5[%get3A_65, %get3A_66] : memref<128x128xf32, #tpu.memory_space<vmem>>, vector<128x128xf32>
    %dot_general3A_68 = arith.constant dense<0.000000e+00> : vector<1024x128xf32>
    %dot_general3A_69 = tpu.matmul %tanh3A_64, %get3A_67, %dot_general3A_68 {dimension_numbers = #tpu.dot_dimension_numbers<[1], [0], [0], [1], [0, 0, 1, 1], [], []>, transpose_lhs_hint = false} : vector<1024x128xf32>, vector<128x128xf32>, vector<1024x128xf32> -> vector<1024x128xf32>
    %add3A_70 = vector.broadcast %get3A_9 : vector<1x128xf32> to vector<1024x128xf32>
    %add3A_71 = arith.addf %dot_general3A_69, %add3A_70 : vector<1024x128xf32>
    %get3A_72 = arith.constant 0 : index
    %get3A_73 = arith.constant 0 : index
    %get3A_74 = vector.load %arg6[%get3A_72, %get3A_73] : memref<128x128xf32, #tpu.memory_space<vmem>>, vector<128x128xf32>
    %dot_general3A_75 = arith.constant dense<0.000000e+00> : vector<1024x128xf32>
    %dot_general3A_76 = tpu.matmul %tanh3A_54, %get3A_74, %dot_general3A_75 {dimension_numbers = #tpu.dot_dimension_numbers<[1], [0], [0], [1], [0, 0, 1, 1], [], []>, transpose_lhs_hint = false} : vector<1024x128xf32>, vector<128x128xf32>, vector<1024x128xf32> -> vector<1024x128xf32>
    %add3A_77 = arith.addf %add3A_71, %dot_general3A_76 : vector<1024x128xf32>
    %tanh3A_78 = math.tanh %add3A_77 : vector<1024x128xf32>
    %get3A_79 = arith.constant 3072 : index
    %get3A_80 = arith.constant 0 : index
    %get3A_81 = vector.load %arg1[%get3A_79, %get3A_80] : memref<10240x128xf32, #tpu.memory_space<vmem>>, vector<1024x128xf32>
    %get3A_82 = arith.constant 0 : index
    %get3A_83 = arith.constant 0 : index
    %get3A_84 = vector.load %arg4[%get3A_82, %get3A_83] : memref<128x128xf32, #tpu.memory_space<vmem>>, vector<128x128xf32>
    %dot_general3A_85 = arith.constant dense<0.000000e+00> : vector<1024x128xf32>
    %dot_general3A_86 = tpu.matmul %tanh3A_64, %get3A_84, %dot_general3A_85 {dimension_numbers = #tpu.dot_dimension_numbers<[1], [0], [0], [1], [0, 0, 1, 1], [], []>, transpose_lhs_hint = false} : vector<1024x128xf32>, vector<128x128xf32>, vector<1024x128xf32> -> vector<1024x128xf32>
    %add3A_87 = arith.addf %get3A_81, %dot_general3A_86 : vector<1024x128xf32>
    %tanh3A_88 = math.tanh %add3A_87 : vector<1024x128xf32>
    %get3A_89 = arith.constant 0 : index
    %get3A_90 = arith.constant 0 : index
    %get3A_91 = vector.load %arg5[%get3A_89, %get3A_90] : memref<128x128xf32, #tpu.memory_space<vmem>>, vector<128x128xf32>
    %dot_general3A_92 = arith.constant dense<0.000000e+00> : vector<1024x128xf32>
    %dot_general3A_93 = tpu.matmul %tanh3A_88, %get3A_91, %dot_general3A_92 {dimension_numbers = #tpu.dot_dimension_numbers<[1], [0], [0], [1], [0, 0, 1, 1], [], []>, transpose_lhs_hint = false} : vector<1024x128xf32>, vector<128x128xf32>, vector<1024x128xf32> -> vector<1024x128xf32>
    %add3A_94 = vector.broadcast %get3A_9 : vector<1x128xf32> to vector<1024x128xf32>
    %add3A_95 = arith.addf %dot_general3A_93, %add3A_94 : vector<1024x128xf32>
    %get3A_96 = arith.constant 0 : index
    %get3A_97 = arith.constant 0 : index
    %get3A_98 = vector.load %arg6[%get3A_96, %get3A_97] : memref<128x128xf32, #tpu.memory_space<vmem>>, vector<128x128xf32>
    %dot_general3A_99 = arith.constant dense<0.000000e+00> : vector<1024x128xf32>
    %dot_general3A_100 = tpu.matmul %tanh3A_78, %get3A_98, %dot_general3A_99 {dimension_numbers = #tpu.dot_dimension_numbers<[1], [0], [0], [1], [0, 0, 1, 1], [], []>, transpose_lhs_hint = false} : vector<1024x128xf32>, vector<128x128xf32>, vector<1024x128xf32> -> vector<1024x128xf32>
    %add3A_101 = arith.addf %add3A_95, %dot_general3A_100 : vector<1024x128xf32>
    %tanh3A_102 = math.tanh %add3A_101 : vector<1024x128xf32>
    %get3A_103 = arith.constant 4096 : index
    %get3A_104 = arith.constant 0 : index
    %get3A_105 = vector.load %arg1[%get3A_103, %get3A_104] : memref<10240x128xf32, #tpu.memory_space<vmem>>, vector<1024x128xf32>
    %get3A_106 = arith.constant 0 : index
    %get3A_107 = arith.constant 0 : index
    %get3A_108 = vector.load %arg4[%get3A_106, %get3A_107] : memref<128x128xf32, #tpu.memory_space<vmem>>, vector<128x128xf32>
    %dot_general3A_109 = arith.constant dense<0.000000e+00> : vector<1024x128xf32>
    %dot_general3A_110 = tpu.matmul %tanh3A_88, %get3A_108, %dot_general3A_109 {dimension_numbers = #tpu.dot_dimension_numbers<[1], [0], [0], [1], [0, 0, 1, 1], [], []>, transpose_lhs_hint = false} : vector<1024x128xf32>, vector<128x128xf32>, vector<1024x128xf32> -> vector<1024x128xf32>
    %add3A_111 = arith.addf %get3A_105, %dot_general3A_110 : vector<1024x128xf32>
    %tanh3A_112 = math.tanh %add3A_111 : vector<1024x128xf32>
    %get3A_113 = arith.constant 0 : index
    %get3A_114 = arith.constant 0 : index
    %get3A_115 = vector.load %arg5[%get3A_113, %get3A_114] : memref<128x128xf32, #tpu.memory_space<vmem>>, vector<128x128xf32>
    %dot_general3A_116 = arith.constant dense<0.000000e+00> : vector<1024x128xf32>
    %dot_general3A_117 = tpu.matmul %tanh3A_112, %get3A_115, %dot_general3A_116 {dimension_numbers = #tpu.dot_dimension_numbers<[1], [0], [0], [1], [0, 0, 1, 1], [], []>, transpose_lhs_hint = false} : vector<1024x128xf32>, vector<128x128xf32>, vector<1024x128xf32> -> vector<1024x128xf32>
    %add3A_118 = vector.broadcast %get3A_9 : vector<1x128xf32> to vector<1024x128xf32>
    %add3A_119 = arith.addf %dot_general3A_117, %add3A_118 : vector<1024x128xf32>
    %get3A_120 = arith.constant 0 : index
    %get3A_121 = arith.constant 0 : index
    %get3A_122 = vector.load %arg6[%get3A_120, %get3A_121] : memref<128x128xf32, #tpu.memory_space<vmem>>, vector<128x128xf32>
    %dot_general3A_123 = arith.constant dense<0.000000e+00> : vector<1024x128xf32>
    %dot_general3A_124 = tpu.matmul %tanh3A_102, %get3A_122, %dot_general3A_123 {dimension_numbers = #tpu.dot_dimension_numbers<[1], [0], [0], [1], [0, 0, 1, 1], [], []>, transpose_lhs_hint = false} : vector<1024x128xf32>, vector<128x128xf32>, vector<1024x128xf32> -> vector<1024x128xf32>
    %add3A_125 = arith.addf %add3A_119, %dot_general3A_124 : vector<1024x128xf32>
    %tanh3A_126 = math.tanh %add3A_125 : vector<1024x128xf32>
    %get3A_127 = arith.constant 5120 : index
    %get3A_128 = arith.constant 0 : index
    %get3A_129 = vector.load %arg1[%get3A_127, %get3A_128] : memref<10240x128xf32, #tpu.memory_space<vmem>>, vector<1024x128xf32>
    %get3A_130 = arith.constant 0 : index
    %get3A_131 = arith.constant 0 : index
    %get3A_132 = vector.load %arg4[%get3A_130, %get3A_131] : memref<128x128xf32, #tpu.memory_space<vmem>>, vector<128x128xf32>
    %dot_general3A_133 = arith.constant dense<0.000000e+00> : vector<1024x128xf32>
    %dot_general3A_134 = tpu.matmul %tanh3A_112, %get3A_132, %dot_general3A_133 {dimension_numbers = #tpu.dot_dimension_numbers<[1], [0], [0], [1], [0, 0, 1, 1], [], []>, transpose_lhs_hint = false} : vector<1024x128xf32>, vector<128x128xf32>, vector<1024x128xf32> -> vector<1024x128xf32>
    %add3A_135 = arith.addf %get3A_129, %dot_general3A_134 : vector<1024x128xf32>
    %tanh3A_136 = math.tanh %add3A_135 : vector<1024x128xf32>
    %get3A_137 = arith.constant 0 : index
    %get3A_138 = arith.constant 0 : index
    %get3A_139 = vector.load %arg5[%get3A_137, %get3A_138] : memref<128x128xf32, #tpu.memory_space<vmem>>, vector<128x128xf32>
    %dot_general3A_140 = arith.constant dense<0.000000e+00> : vector<1024x128xf32>
    %dot_general3A_141 = tpu.matmul %tanh3A_136, %get3A_139, %dot_general3A_140 {dimension_numbers = #tpu.dot_dimension_numbers<[1], [0], [0], [1], [0, 0, 1, 1], [], []>, transpose_lhs_hint = false} : vector<1024x128xf32>, vector<128x128xf32>, vector<1024x128xf32> -> vector<1024x128xf32>
    %add3A_142 = vector.broadcast %get3A_9 : vector<1x128xf32> to vector<1024x128xf32>
    %add3A_143 = arith.addf %dot_general3A_141, %add3A_142 : vector<1024x128xf32>
    %get3A_144 = arith.constant 0 : index
    %get3A_145 = arith.constant 0 : index
    %get3A_146 = vector.load %arg6[%get3A_144, %get3A_145] : memref<128x128xf32, #tpu.memory_space<vmem>>, vector<128x128xf32>
    %dot_general3A_147 = arith.constant dense<0.000000e+00> : vector<1024x128xf32>
    %dot_general3A_148 = tpu.matmul %tanh3A_126, %get3A_146, %dot_general3A_147 {dimension_numbers = #tpu.dot_dimension_numbers<[1], [0], [0], [1], [0, 0, 1, 1], [], []>, transpose_lhs_hint = false} : vector<1024x128xf32>, vector<128x128xf32>, vector<1024x128xf32> -> vector<1024x128xf32>
    %add3A_149 = arith.addf %add3A_143, %dot_general3A_148 : vector<1024x128xf32>
    %tanh3A_150 = math.tanh %add3A_149 : vector<1024x128xf32>
    %get3A_151 = arith.constant 6144 : index
    %get3A_152 = arith.constant 0 : index
    %get3A_153 = vector.load %arg1[%get3A_151, %get3A_152] : memref<10240x128xf32, #tpu.memory_space<vmem>>, vector<1024x128xf32>
    %get3A_154 = arith.constant 0 : index
    %get3A_155 = arith.constant 0 : index
    %get3A_156 = vector.load %arg4[%get3A_154, %get3A_155] : memref<128x128xf32, #tpu.memory_space<vmem>>, vector<128x128xf32>
    %dot_general3A_157 = arith.constant dense<0.000000e+00> : vector<1024x128xf32>
    %dot_general3A_158 = tpu.matmul %tanh3A_136, %get3A_156, %dot_general3A_157 {dimension_numbers = #tpu.dot_dimension_numbers<[1], [0], [0], [1], [0, 0, 1, 1], [], []>, transpose_lhs_hint = false} : vector<1024x128xf32>, vector<128x128xf32>, vector<1024x128xf32> -> vector<1024x128xf32>
    %add3A_159 = arith.addf %get3A_153, %dot_general3A_158 : vector<1024x128xf32>
    %tanh3A_160 = math.tanh %add3A_159 : vector<1024x128xf32>
    %get3A_161 = arith.constant 0 : index
    %get3A_162 = arith.constant 0 : index
    %get3A_163 = vector.load %arg5[%get3A_161, %get3A_162] : memref<128x128xf32, #tpu.memory_space<vmem>>, vector<128x128xf32>
    %dot_general3A_164 = arith.constant dense<0.000000e+00> : vector<1024x128xf32>
    %dot_general3A_165 = tpu.matmul %tanh3A_160, %get3A_163, %dot_general3A_164 {dimension_numbers = #tpu.dot_dimension_numbers<[1], [0], [0], [1], [0, 0, 1, 1], [], []>, transpose_lhs_hint = false} : vector<1024x128xf32>, vector<128x128xf32>, vector<1024x128xf32> -> vector<1024x128xf32>
    %add3A_166 = vector.broadcast %get3A_9 : vector<1x128xf32> to vector<1024x128xf32>
    %add3A_167 = arith.addf %dot_general3A_165, %add3A_166 : vector<1024x128xf32>
    %get3A_168 = arith.constant 0 : index
    %get3A_169 = arith.constant 0 : index
    %get3A_170 = vector.load %arg6[%get3A_168, %get3A_169] : memref<128x128xf32, #tpu.memory_space<vmem>>, vector<128x128xf32>
    %dot_general3A_171 = arith.constant dense<0.000000e+00> : vector<1024x128xf32>
    %dot_general3A_172 = tpu.matmul %tanh3A_150, %get3A_170, %dot_general3A_171 {dimension_numbers = #tpu.dot_dimension_numbers<[1], [0], [0], [1], [0, 0, 1, 1], [], []>, transpose_lhs_hint = false} : vector<1024x128xf32>, vector<128x128xf32>, vector<1024x128xf32> -> vector<1024x128xf32>
    %add3A_173 = arith.addf %add3A_167, %dot_general3A_172 : vector<1024x128xf32>
    %tanh3A_174 = math.tanh %add3A_173 : vector<1024x128xf32>
    %get3A_175 = arith.constant 7168 : index
    %get3A_176 = arith.constant 0 : index
    %get3A_177 = vector.load %arg1[%get3A_175, %get3A_176] : memref<10240x128xf32, #tpu.memory_space<vmem>>, vector<1024x128xf32>
    %get3A_178 = arith.constant 0 : index
    %get3A_179 = arith.constant 0 : index
    %get3A_180 = vector.load %arg4[%get3A_178, %get3A_179] : memref<128x128xf32, #tpu.memory_space<vmem>>, vector<128x128xf32>
    %dot_general3A_181 = arith.constant dense<0.000000e+00> : vector<1024x128xf32>
    %dot_general3A_182 = tpu.matmul %tanh3A_160, %get3A_180, %dot_general3A_181 {dimension_numbers = #tpu.dot_dimension_numbers<[1], [0], [0], [1], [0, 0, 1, 1], [], []>, transpose_lhs_hint = false} : vector<1024x128xf32>, vector<128x128xf32>, vector<1024x128xf32> -> vector<1024x128xf32>
    %add3A_183 = arith.addf %get3A_177, %dot_general3A_182 : vector<1024x128xf32>
    %tanh3A_184 = math.tanh %add3A_183 : vector<1024x128xf32>
    %get3A_185 = arith.constant 0 : index
    %get3A_186 = arith.constant 0 : index
    %get3A_187 = vector.load %arg5[%get3A_185, %get3A_186] : memref<128x128xf32, #tpu.memory_space<vmem>>, vector<128x128xf32>
    %dot_general3A_188 = arith.constant dense<0.000000e+00> : vector<1024x128xf32>
    %dot_general3A_189 = tpu.matmul %tanh3A_184, %get3A_187, %dot_general3A_188 {dimension_numbers = #tpu.dot_dimension_numbers<[1], [0], [0], [1], [0, 0, 1, 1], [], []>, transpose_lhs_hint = false} : vector<1024x128xf32>, vector<128x128xf32>, vector<1024x128xf32> -> vector<1024x128xf32>
    %add3A_190 = vector.broadcast %get3A_9 : vector<1x128xf32> to vector<1024x128xf32>
    %add3A_191 = arith.addf %dot_general3A_189, %add3A_190 : vector<1024x128xf32>
    %get3A_192 = arith.constant 0 : index
    %get3A_193 = arith.constant 0 : index
    %get3A_194 = vector.load %arg6[%get3A_192, %get3A_193] : memref<128x128xf32, #tpu.memory_space<vmem>>, vector<128x128xf32>
    %dot_general3A_195 = arith.constant dense<0.000000e+00> : vector<1024x128xf32>
    %dot_general3A_196 = tpu.matmul %tanh3A_174, %get3A_194, %dot_general3A_195 {dimension_numbers = #tpu.dot_dimension_numbers<[1], [0], [0], [1], [0, 0, 1, 1], [], []>, transpose_lhs_hint = false} : vector<1024x128xf32>, vector<128x128xf32>, vector<1024x128xf32> -> vector<1024x128xf32>
    %add3A_197 = arith.addf %add3A_191, %dot_general3A_196 : vector<1024x128xf32>
    %tanh3A_198 = math.tanh %add3A_197 : vector<1024x128xf32>
    %get3A_199 = arith.constant 8192 : index
    %get3A_200 = arith.constant 0 : index
    %get3A_201 = vector.load %arg1[%get3A_199, %get3A_200] : memref<10240x128xf32, #tpu.memory_space<vmem>>, vector<1024x128xf32>
    %get3A_202 = arith.constant 0 : index
    %get3A_203 = arith.constant 0 : index
    %get3A_204 = vector.load %arg4[%get3A_202, %get3A_203] : memref<128x128xf32, #tpu.memory_space<vmem>>, vector<128x128xf32>
    %dot_general3A_205 = arith.constant dense<0.000000e+00> : vector<1024x128xf32>
    %dot_general3A_206 = tpu.matmul %tanh3A_184, %get3A_204, %dot_general3A_205 {dimension_numbers = #tpu.dot_dimension_numbers<[1], [0], [0], [1], [0, 0, 1, 1], [], []>, transpose_lhs_hint = false} : vector<1024x128xf32>, vector<128x128xf32>, vector<1024x128xf32> -> vector<1024x128xf32>
    %add3A_207 = arith.addf %get3A_201, %dot_general3A_206 : vector<1024x128xf32>
    %tanh3A_208 = math.tanh %add3A_207 : vector<1024x128xf32>
    %get3A_209 = arith.constant 0 : index
    %get3A_210 = arith.constant 0 : index
    %get3A_211 = vector.load %arg5[%get3A_209, %get3A_210] : memref<128x128xf32, #tpu.memory_space<vmem>>, vector<128x128xf32>
    %dot_general3A_212 = arith.constant dense<0.000000e+00> : vector<1024x128xf32>
    %dot_general3A_213 = tpu.matmul %tanh3A_208, %get3A_211, %dot_general3A_212 {dimension_numbers = #tpu.dot_dimension_numbers<[1], [0], [0], [1], [0, 0, 1, 1], [], []>, transpose_lhs_hint = false} : vector<1024x128xf32>, vector<128x128xf32>, vector<1024x128xf32> -> vector<1024x128xf32>
    %add3A_214 = vector.broadcast %get3A_9 : vector<1x128xf32> to vector<1024x128xf32>
    %add3A_215 = arith.addf %dot_general3A_213, %add3A_214 : vector<1024x128xf32>
    %get3A_216 = arith.constant 0 : index
    %get3A_217 = arith.constant 0 : index
    %get3A_218 = vector.load %arg6[%get3A_216, %get3A_217] : memref<128x128xf32, #tpu.memory_space<vmem>>, vector<128x128xf32>
    %dot_general3A_219 = arith.constant dense<0.000000e+00> : vector<1024x128xf32>
    %dot_general3A_220 = tpu.matmul %tanh3A_198, %get3A_218, %dot_general3A_219 {dimension_numbers = #tpu.dot_dimension_numbers<[1], [0], [0], [1], [0, 0, 1, 1], [], []>, transpose_lhs_hint = false} : vector<1024x128xf32>, vector<128x128xf32>, vector<1024x128xf32> -> vector<1024x128xf32>
    %add3A_221 = arith.addf %add3A_215, %dot_general3A_220 : vector<1024x128xf32>
    %tanh3A_222 = math.tanh %add3A_221 : vector<1024x128xf32>
    %get3A_223 = arith.constant 9216 : index
    %get3A_224 = arith.constant 0 : index
    %get3A_225 = vector.load %arg1[%get3A_223, %get3A_224] : memref<10240x128xf32, #tpu.memory_space<vmem>>, vector<1024x128xf32>
    %get3A_226 = arith.constant 0 : index
    %get3A_227 = arith.constant 0 : index
    %get3A_228 = vector.load %arg4[%get3A_226, %get3A_227] : memref<128x128xf32, #tpu.memory_space<vmem>>, vector<128x128xf32>
    %dot_general3A_229 = arith.constant dense<0.000000e+00> : vector<1024x128xf32>
    %dot_general3A_230 = tpu.matmul %tanh3A_208, %get3A_228, %dot_general3A_229 {dimension_numbers = #tpu.dot_dimension_numbers<[1], [0], [0], [1], [0, 0, 1, 1], [], []>, transpose_lhs_hint = false} : vector<1024x128xf32>, vector<128x128xf32>, vector<1024x128xf32> -> vector<1024x128xf32>
    %add3A_231 = arith.addf %get3A_225, %dot_general3A_230 : vector<1024x128xf32>
    %tanh3A_232 = math.tanh %add3A_231 : vector<1024x128xf32>
    %get3A_233 = arith.constant 0 : index
    %get3A_234 = arith.constant 0 : index
    %get3A_235 = vector.load %arg5[%get3A_233, %get3A_234] : memref<128x128xf32, #tpu.memory_space<vmem>>, vector<128x128xf32>
    %dot_general3A_236 = arith.constant dense<0.000000e+00> : vector<1024x128xf32>
    %dot_general3A_237 = tpu.matmul %tanh3A_232, %get3A_235, %dot_general3A_236 {dimension_numbers = #tpu.dot_dimension_numbers<[1], [0], [0], [1], [0, 0, 1, 1], [], []>, transpose_lhs_hint = false} : vector<1024x128xf32>, vector<128x128xf32>, vector<1024x128xf32> -> vector<1024x128xf32>
    %add3A_238 = vector.broadcast %get3A_9 : vector<1x128xf32> to vector<1024x128xf32>
    %add3A_239 = arith.addf %dot_general3A_237, %add3A_238 : vector<1024x128xf32>
    %get3A_240 = arith.constant 0 : index
    %get3A_241 = arith.constant 0 : index
    %get3A_242 = vector.load %arg6[%get3A_240, %get3A_241] : memref<128x128xf32, #tpu.memory_space<vmem>>, vector<128x128xf32>
    %dot_general3A_243 = arith.constant dense<0.000000e+00> : vector<1024x128xf32>
    %dot_general3A_244 = tpu.matmul %tanh3A_222, %get3A_242, %dot_general3A_243 {dimension_numbers = #tpu.dot_dimension_numbers<[1], [0], [0], [1], [0, 0, 1, 1], [], []>, transpose_lhs_hint = false} : vector<1024x128xf32>, vector<128x128xf32>, vector<1024x128xf32> -> vector<1024x128xf32>
    %add3A_245 = arith.addf %add3A_239, %dot_general3A_244 : vector<1024x128xf32>
    %tanh3A_246 = math.tanh %add3A_245 : vector<1024x128xf32>
    %swap3A = arith.constant 0 : index
    %swap3A_247 = arith.constant 0 : index
    %swap3A_248 = vector.load %arg13[%swap3A, %swap3A_247] : memref<1024x128xf32, #tpu.memory_space<vmem>>, vector<1024x128xf32>
    tpu.vector_store %arg13[%swap3A, %swap3A_247], %tanh3A_232 {strides = array<i32>} : memref<1024x128xf32, #tpu.memory_space<vmem>>, vector<1024x128xf32>,
    %swap3A_249 = arith.constant 0 : index
    %swap3A_250 = arith.constant 0 : index
    %swap3A_251 = vector.load %arg14[%swap3A_249, %swap3A_250] : memref<1024x128xf32, #tpu.memory_space<vmem>>, vector<1024x128xf32>
    tpu.vector_store %arg14[%swap3A_249, %swap3A_250], %tanh3A_246 {strides = array<i32>} : memref<1024x128xf32, #tpu.memory_space<vmem>>, vector<1024x128xf32>,
    %eq3A_252 = arith.constant 9 : i32
    %eq3A_253 = arith.cmpi eq, %arg0, %eq3A_252 : i32
    %convert_element_type3A_254 = arith.extui %eq3A_253 : i1 to i32
    %cond3A_255 = arith.constant 0 : i32
    %cond3A_256 = arith.cmpi ne, %convert_element_type3A_254, %cond3A_255 : i32
    scf.if %cond3A_256 {
      %swap3A_257 = arith.constant 0 : index
      %swap3A_258 = arith.constant 0 : index
      %swap3A_259 = vector.load %arg11[%swap3A_257, %swap3A_258] : memref<1024x128xf32, #tpu.memory_space<vmem>>, vector<1024x128xf32>
      tpu.vector_store %arg11[%swap3A_257, %swap3A_258], %tanh3A_232 {strides = array<i32>} : memref<1024x128xf32, #tpu.memory_space<vmem>>, vector<1024x128xf32>,
      %swap3A_260 = arith.constant 0 : index
      %swap3A_261 = arith.constant 0 : index
      %swap3A_262 = vector.load %arg12[%swap3A_260, %swap3A_261] : memref<1024x128xf32, #tpu.memory_space<vmem>>, vector<1024x128xf32>
      tpu.vector_store %arg12[%swap3A_260, %swap3A_261], %tanh3A_246 {strides = array<i32>} : memref<1024x128xf32, #tpu.memory_space<vmem>>, vector<1024x128xf32>,
      %get3A_263 = arith.constant 0 : index
      %get3A_264 = arith.constant 0 : index
      %get3A_265 = vector.load %arg7[%get3A_263, %get3A_264] : memref<128x20xf32, #tpu.memory_space<vmem>>, vector<128x20xf32>
      %dot_general3A_266 = arith.constant dense<0.000000e+00> : vector<1024x20xf32>
      %dot_general3A_267 = tpu.matmul %tanh3A_246, %get3A_265, %dot_general3A_266 {dimension_numbers = #tpu.dot_dimension_numbers<[1], [0], [0], [1], [0, 0, 1, 1], [], []>, transpose_lhs_hint = false} : vector<1024x128xf32>, vector<128x20xf32>, vector<1024x20xf32> -> vector<1024x20xf32>
      %get3A_268 = arith.constant 0 : index
      %get3A_269 = arith.constant 0 : index
      %get3A_270 = vector.load %arg9[%get3A_268, %get3A_269] : memref<1x20xf32, #tpu.memory_space<vmem>>, vector<1x20xf32>
      %add3A_271 = vector.broadcast %get3A_270 : vector<1x20xf32> to vector<1024x20xf32>
      %add3A_272 = arith.addf %dot_general3A_267, %add3A_271 : vector<1024x20xf32>
      %swap3A_273 = arith.constant 0 : index
      %swap3A_274 = arith.constant 0 : index
      %swap3A_275 = vector.load %arg10[%swap3A_273, %swap3A_274] : memref<1024x20xf32, #tpu.memory_space<vmem>>, vector<1024x20xf32>
      tpu.vector_store %arg10[%swap3A_273, %swap3A_274], %add3A_272 {strides = array<i32>} : memref<1024x20xf32, #tpu.memory_space<vmem>>, vector<1024x20xf32>,
    } else {
    }
    return
  }
  func.func @transform_0(%arg0: i32) -> (i32, i32) {
    %c0_i32 = arith.constant 0 : i32
    %c0_i32_0 = arith.constant 0 : i32
    return %arg0, %c0_i32 : i32, i32
  }
  func.func @transform_1(%arg0: i32) -> (i32, i32) {
    %c0_i32 = arith.constant 0 : i32
    %c0_i32_0 = arith.constant 0 : i32
    %c0_i32_1 = arith.constant 0 : i32
    return %c0_i32, %c0_i32_0 : i32, i32
  }
  func.func @transform_2(%arg0: i32) -> (i32, i32) {
    %c0_i32 = arith.constant 0 : i32
    %c0_i32_0 = arith.constant 0 : i32
    %c0_i32_1 = arith.constant 0 : i32
    return %c0_i32, %c0_i32_0 : i32, i32
  }
  func.func @transform_3(%arg0: i32) -> (i32, i32) {
    %c0_i32 = arith.constant 0 : i32
    %c0_i32_0 = arith.constant 0 : i32
    %c0_i32_1 = arith.constant 0 : i32
    return %c0_i32, %c0_i32_0 : i32, i32
  }
  func.func @transform_4(%arg0: i32) -> (i32, i32) {
    %c0_i32 = arith.constant 0 : i32
    %c0_i32_0 = arith.constant 0 : i32
    %c0_i32_1 = arith.constant 0 : i32
    return %c0_i32, %c0_i32_0 : i32, i32
  }
  func.func @transform_5(%arg0: i32) -> (i32, i32) {
    %c0_i32 = arith.constant 0 : i32
    %c0_i32_0 = arith.constant 0 : i32
    %c0_i32_1 = arith.constant 0 : i32
    return %c0_i32, %c0_i32_0 : i32, i32
  }
  func.func @transform_6(%arg0: i32) -> (i32, i32) {
    %c0_i32 = arith.constant 0 : i32
    %c0_i32_0 = arith.constant 0 : i32
    %c0_i32_1 = arith.constant 0 : i32
    return %c0_i32, %c0_i32_0 : i32, i32
  }
  func.func @transform_7(%arg0: i32) -> (i32, i32) {
    %c0_i32 = arith.constant 0 : i32
    %c0_i32_0 = arith.constant 0 : i32
    %c0_i32_1 = arith.constant 0 : i32
    return %c0_i32, %c0_i32_0 : i32, i32
  }
  func.func @transform_8(%arg0: i32) -> (i32, i32) {
    %c0_i32 = arith.constant 0 : i32
    %c0_i32_0 = arith.constant 0 : i32
    %c0_i32_1 = arith.constant 0 : i32
    return %c0_i32, %c0_i32_0 : i32, i32
  }
  func.func @transform_9(%arg0: i32) -> (i32, i32) {
    %c0_i32 = arith.constant 0 : i32
    %c0_i32_0 = arith.constant 0 : i32
    %c0_i32_1 = arith.constant 0 : i32
    return %c0_i32, %c0_i32_0 : i32, i32
  }
  func.func @transform_10(%arg0: i32) -> (i32, i32) {
    %c0_i32 = arith.constant 0 : i32
    %c0_i32_0 = arith.constant 0 : i32
    %c0_i32_1 = arith.constant 0 : i32
    return %c0_i32, %c0_i32_0 : i32, i32
  }
  func.func @transform_11(%arg0: i32) -> (i32, i32) {
    %c0_i32 = arith.constant 0 : i32
    %c0_i32_0 = arith.constant 0 : i32
    %c0_i32_1 = arith.constant 0 : i32
    return %c0_i32, %c0_i32_0 : i32, i32
  }
}

</mosaic_0001>

<sc_bundles>
// kernel: kernel.10.cloned.1.call-start
scs
__scs_entry_jumppad:
0x0: {  	(pc) =	sbr.rel $0x88, $3  }
0x1: {  	(tag) =	ssettag $0x0;
	lr =	simm.s32 $0x1  }
0x2: {  	[smem:$0x3F95] =	sst lr;
	_ =	strace $0xD0000000  }
0x3: {  	_ = 	snop  }
0x4: {  	_ = 	snop  }
0x5: {  	_ = 	snop  }
0x6: {  	_ = 	snop  }
0x7: {  	_ = 	snop  }
__scs_overlays_trampoline_lowered:
0x8: {  	[smem:$0x3FA4] =	sst s0  }
0x9: {  	[smem:$0x3FA5] =	sst s1  }
0xa: {  	[smem:$0x3FA6] =	sst s2  }
0xb: {  	[smem:$0x3FA7] =	sst s3  }
0xc: {  	[smem:$0x3FA8] =	sst s4  }
0xd: {  	[smem:$0x3FA9] =	sst s5  }
0xe: {  	[smem:$0x3FAA] =	sst s6  }
0xf: {  	[smem:$0x3FAB] =	sst s7  }
0x10: {  	[smem:$0x3FAC] =	sst s8  }
0x11: {  	[smem:$0x3FAD] =	sst s9;
	s0 =	simm.s32 @!p0 $0x0  }
0x12: {  	s1 =	sld [smem:$0x3F93];
	s0 =	simm.s32 @p0 $0x1  }
0x13: {  	[smem:$0x3FAE] =	sst s0;
	s0 =	simm.s32 @!p1 $0x0  }
0x14: {  	s2 =	sld [smem:$0x3F92];
	s0 =	simm.s32 @p1 $0x1  }
0x15: {  	[smem:$0x3FAF] =	sst s0;
	s0 =	simm.s32 @!p2 $0x0  }
0x16: {  	s3 =	sld [smem:$0x3FDB];
	s0 =	simm.s32 @p2 $0x1  }
0x17: {  	s4 =	simm.s32 $0x1BF5;
	[smem:$0x3FB1] =	sst s0  }
0x18: {  	s0 =	sld [smem:$0x3F94];
	_ =	swait.ge [sflag:s4], $0x0  }
0x19: {  	s7 =	sld [smem:$0x3F95]  }
0x1a: {  	s8 =	sadd.s32 $0xFFFFE003, lr  }
0x1b: {  	s9 =	sadd.s32 $0xFFFFFEF7, lr;
	s5 =	simm.s32 $0xFFFFFFFF;
	p2 =	slt.u32 s8, $0xFFFFF086  }
0x1c: {  	p1 =	slt.u32 s9, $0xF7A;
	s5 =	simm.s32 @!p2 $0x0  }
0x1d: {  	s5 =	simm.s32 @p1 $0x1;
	p0 =	seq.s32 s7, s2  }
0x1e: {  	s7 =	smul.u32 @!p0 $0xF7A, s2;
	p2 =	seq.s32 @!p0 s5, $0x0  }
0x1f: {  	s9 =	smul.u32 $0xF7A, s1;
	s8 =	simm.s32 @!p0 $0x1BF5;
	p2 =	por !p2, p0  }
0x20: {  	[sflag:s8] =	ssyncset.s32 @!p0 $0xFFFFF086;
	s6 =	sadd.s32 @!p0 s3, s7;
	s7 =	simm.s32 @!p0 $0x108  }
0x21: {  	s3 =	sadd.s32 s3, s9;
	s6 =	sadd.s32 @!p0 $0x88, s6;
	s7 =	simm.s32 @p2 $0x1082  }
0x22: {  	[simem:s7], [sflag:s8] =	dma.local @!p0 [hbm:s6], $0xF7A  }
0x23: {  	s9 =	sor.u32 $0xD0000000, s2;
	s6 =	simm.s32 $0x108;
	_ =	swait.ge @!p0 [sflag:s8], $0x0  }
0x24: {  	s3 =	sadd.s32 $0x88, s3;
	s6 =	simm.s32 @!p1 $0x1082;
	[sflag:s4] =	ssyncset.s32 $0xFFFFF086  }
0x25: {  	[simem:s6], [sflag:s4] =	dma.local [hbm:s3], $0xF7A  }
0x26: {  	[smem:$0x3F95] =	sst s1;
	(tag) =	ssettag s2;
	_ =	strace s9  }
0x27: {  	s1 =	sld [smem:$0x3FA5]  }
0x28: {  	s2 =	sld [smem:$0x3FA6]  }
0x29: {  	s4 =	sld [smem:$0x3FA8]  }
0x2a: {  	p0 =	seq.s32 s5, $0x0;
	s5 =	sld [smem:$0x3FA9]  }
0x2b: {  	s6 =	sld [smem:$0x3FAA]  }
0x2c: {  	s7 =	sld [smem:$0x3FAB]  }
0x2d: {  	s3 =	simm.s32 $0x108;
	s8 =	sld [smem:$0x3FAC]  }
0x2e: {  	s3 =	simm.s32 @!p0 $0x1082;
	s9 =	sld [smem:$0x3FAD]  }
0x2f: {  	lr =	sadd.s32 s0, s3;
	s0 =	sld [smem:$0x3FA4]  }
0x30: {  	s3 =	sld [smem:$0x3FA7]  }
0x31: {  	[smem:$0x3FB0] =	sst s10  }
0x32: {  	s10 =	sld [smem:$0x3FAE];
	_ =	sdelay $0x3  }
0x33: {  	p0 =	seq.s32 s10, $0x1;
	s10 =	sld [smem:$0x3FB0];
	_ =	sdelay $0x3  }
0x34: {  	[smem:$0x3FB0] =	sst s10  }
0x35: {  	s10 =	sld [smem:$0x3FAF];
	_ =	sdelay $0x3  }
0x36: {  	p1 =	seq.s32 s10, $0x1;
	s10 =	sld [smem:$0x3FB0];
	_ =	sdelay $0x3  }
0x37: {  	[smem:$0x3FB0] =	sst s10  }
0x38: {  	s10 =	sld [smem:$0x3FB1]  }
0x39: {  	_ = 	snop;
	(pc) =	sbr.ind lr, $3  }
0x3a: {  	_ = 	snop  }
0x3b: {  	_ = 	snop  }
0x3c: {  	p2 =	seq.s32 s10, $0x1;
	s10 =	sld [smem:$0x3FB0]  }
0x3d: {  	_ =	shalt  }
0x3e: {  	_ =	shalt  }
0x3f: {  	_ =	shalt  }
0x40: {  	_ =	shalt  }
0x41: {  	_ =	shalt  }
0x42: {  	_ =	shalt  }
0x43: {  	_ =	shalt  }
0x44: {  	_ =	shalt  }
0x45: {  	_ =	shalt  }
0x46: {  	_ =	shalt  }
0x47: {  	_ =	shalt  }
0x48: {  	_ =	shalt  }
0x49: {  	_ =	shalt  }
0x4a: {  	_ =	shalt  }
0x4b: {  	_ =	shalt  }
0x4c: {  	_ =	shalt  }
0x4d: {  	_ =	shalt  }
0x4e: {  	_ =	shalt  }
0x4f: {  	_ =	shalt  }
0x50: {  	_ =	shalt  }
0x51: {  	_ =	shalt  }
0x52: {  	_ =	shalt  }
0x53: {  	_ =	shalt  }
0x54: {  	_ =	shalt  }
0x55: {  	_ =	shalt  }
0x56: {  	_ =	shalt  }
0x57: {  	_ =	shalt  }
0x58: {  	_ =	shalt  }
0x59: {  	_ =	shalt  }
0x5a: {  	_ =	shalt  }
0x5b: {  	_ =	shalt  }
0x5c: {  	_ =	shalt  }
0x5d: {  	_ =	shalt  }
0x5e: {  	_ =	shalt  }
0x5f: {  	_ =	shalt  }
0x60: {  	_ =	shalt  }
0x61: {  	_ =	shalt  }
0x62: {  	_ =	shalt  }
0x63: {  	_ =	shalt  }
0x64: {  	_ =	shalt  }
0x65: {  	_ =	shalt  }
0x66: {  	_ =	shalt  }
0x67: {  	_ =	shalt  }
0x68: {  	_ =	shalt  }
0x69: {  	_ =	shalt  }
0x6a: {  	_ =	shalt  }
0x6b: {  	_ =	shalt  }
0x6c: {  	_ =	shalt  }
0x6d: {  	_ =	shalt  }
0x6e: {  	_ =	shalt  }
0x6f: {  	_ =	shalt  }
0x70: {  	_ =	shalt  }
0x71: {  	_ =	shalt  }
0x72: {  	_ =	shalt  }
0x73: {  	_ =	shalt  }
0x74: {  	_ =	shalt  }
0x75: {  	_ =	shalt  }
0x76: {  	_ =	shalt  }
0x77: {  	_ =	shalt  }
0x78: {  	_ =	shalt  }
0x79: {  	_ =	shalt  }
0x7a: {  	_ =	shalt  }
0x7b: {  	_ =	shalt  }
0x7c: {  	_ =	shalt  }
0x7d: {  	_ =	shalt  }
0x7e: {  	_ =	shalt  }
0x7f: {  	_ =	shalt  }
0x80: {  	_ =	shalt  }
0x81: {  	_ =	shalt  }
0x82: {  	_ =	shalt  }
0x83: {  	_ =	shalt  }
0x84: {  	_ =	shalt  }
0x85: {  	_ =	shalt  }
0x86: {  	_ =	shalt  }
0x87: {  	_ =	shalt  }
.Lfunc_end0:
.L_simem_size_0:
called_computation.1_lowered:
.L_overlay_start_0:
0x88: {  	s2 =	sld [smem:$0x3FD9]  }
0x89: {  	s3 =	sld [smem:$0x3FFE];
	_ =	sdelay $0x1  }
0x8a: {  	s1 =	srdreg.scid  }
0x8b: {  	s0 =	sand.u32 $0x1, s1  }
0x8c: {  	s17 =	sshll.u32 s0, $0xA;
	s2 =	sadd.s32 s3, s2  }
0x8d: {  	s2 =	sadd.s32 s2, s17  }
0x8e: {  	[smem:$0x3FBC] =	sst s2  }
0x8f: {  	_ = 	snop  }
0x90: {  	(tm) =	ssettm $0x1  }
0x91: {  	s18 =	sld [smem:$0x3FFB];
	_ =	sdelay $0x3  }
0x92: {  	_ =	strace s18  }
0x93: {  	s2 =	sld [smem:$0x3FFC];
	_ =	sdelay $0x3  }
0x94: {  	_ =	strace s2  }
0x95: {  	s2 =	sld [smem:$0x3FFD];
	_ =	sdelay $0x3  }
0x96: {  	_ =	strace s2  }
0x97: {  	_ =	strace $0x8FFFFFFF  }
0x98: {  	s19 =	sld [smem:$0x3FDB];
	_ =	sdelay $0x1  }
0x99: {  	s20 =	simm.s32 $_scs_section_size  }
0x9a: {  	s4 =	simm.s32 $_size__tile_overlayer_lowered;
	s5 =	simm.s32 $_tile_overlayer_lowered  }
0x9b: {  	s6 =	simm.s32 $0x1BFF;
	s21 =	sshll.u32 s5, $0x1;
	s3 =	sadd.s32 s20, s19  }
0x9c: {  	s22 =	simm.s32 $0x0;
	s4 =	sshll.u32 s4, $0x1;
	s5 =	sadd.s32 s21, s3  }
0x9d: {  	[timem:s22], [sflag:s6] =	dma.local [hbm:s5], s4  }
0x9e: {  	_ =	swait.ge [sflag:s6], s4  }
0x9f: {  	s4 =	ssub.s32 $0x0, s4;
	[sflag:s6] =	ssyncset.done $0x0  }
0xa0: {  	[sflag:s6] =	ssyncadd.s32 s4;
	_ =	sdelay $0x1  }
0xa1: {  	s23 =	simm.s32 $0x1B8B  }
0xa2: {  	_ =	swait.ge [sflag:s23], $0x1  }
0xa3: {  	[sflag:s23] =	ssyncset.done $0x0  }
0xa4: {  	[sflag:s23] =	ssyncadd.s32 $0xFFFFFFFF  }
0xa5: {  	s4 =	sld [smem:$0x0]  }
0xa6: {  	s5 =	sand.u32 $0xFFFFFFFE, s1  }
0xa7: {  	p0 =	sne.s32 s1, s5  }
0xa8: {  	s5 =	sshll.u32 @p0 s5, $0xE  }
0xa9: {  	s5 =	sadd.s32 @p0 $0x11B8D, s5;
	s6 =	sshll.u32 @p0 s4, $0x11  }
0xaa: {  	s5 =	sor.u32 @p0 s6, s5  }
0xab: {  	[sflag:s5] =	ssyncadd.remote.s32 @p0 $0x1;
	_ =	sdelay $0x1  }
0xac: {  	s5 =	simm.s32 @p0 $0x1B8D  }
0xad: {  	_ =	swait.eq @p0 [sflag:s5], $0x1  }
0xae: {  	[sflag:s5] =	ssyncadd.s32 @p0 $0xFFFFFFFF  }
0xaf: {  	s6 =	sshll.u32 @!p0 s1, $0xE  }
0xb0: {  	s6 =	sor.u32 @!p0 $0x4000, s6;
	s5 =	simm.s32 @!p0 $0x1B8D  }
0xb1: {  	s4 =	sshll.u32 @!p0 s4, $0x11;
	s6 =	sadd.s32 @!p0 $0x11B8D, s6;
	_ =	swait.eq @!p0 [sflag:s5], $0x1  }
0xb2: {  	s4 =	sor.u32 @!p0 s4, s6;
	[sflag:s5] =	ssyncadd.s32 @!p0 $0xFFFFFFFF  }
0xb3: {  	s25 =	simm.s32 $0x1B8E;
	s24 =	sld [smem:$0x3FFE];
	[sflag:s4] =	ssyncadd.remote.s32 @!p0 $0x1  }
0xb4: {  	s26 =	simm.s32 $execute0_lowered;
	[smem:$0x3FD2] =	sst s25  }
0xb5: {  	s5 =	sshll.u32 s26, $0x1;
	_ =	strace $0x80000049;
	[dreg:$0x1] =	wrdreg $0xFFFFFFFF  }
0xb6: {  	s28 =	simm.s32 $_size_execute0_lowered;
	s3 =	sadd.s32 s3, s5;
	[dreg:$0x0] =	wrdreg $0x0  }
0xb7: {  	s5 =	sshll.u32 s28, $0x1;
	[dreg:$0x2] =	wrdreg s3  }
0xb8: {  	[dreg:$0x3] =	wrdreg s5  }
0xb9: {  	[dreg:$0x4] =	wrdreg $0xC0  }
0xba: {  	_ =	task [dreg:s22], $0x5FFFF  }
0xbb: {  	[dreg:$0x1] =	wrdreg $0xFFFFFFFF  }
0xbc: {  	[dreg:$0x0] =	wrdreg $0x60  }
0xbd: {  	[dreg:$0x2] =	wrdreg s24  }
0xbe: {  	[dreg:$0x3] =	wrdreg $0xA  }
0xbf: {  	_ =	task.clear_ibuf [dreg:s22], $0x4FFFF;
	_ =	strace $0x90000049  }
0xc0: {  	s29 =	simm.s32 $0xA;
	_ =	strace $0x8000004B  }
0xc1: {  	_ =	swait.ge [sflag:s29], $0x1  }
0xc2: {  	[sflag:s29] =	ssyncadd.s32 $0xFFFFFFFF  }
0xc3: {  	_ =	strace $0x9000004B  }
0xc4: {  	_ =	sfence  }
0xc5: {  	s30 =	sld [smem:$0x0];
	_ =	sdelay $0x2  }
0xc6: {  	s31 =	sshll.u32 s1, $0xD;
	s1 =	sshrl.u32 s1, $0x2  }
0xc7: {  	s4 =	sand.u32 $0x4000, s31;
	s1 =	sadd.s32 s1, s30  }
0xc8: {  	s0 =	sor.u32 s4, s0;
	s1 =	sshll.u32 s1, $0x11  }
0xc9: {  	s0 =	sor.u32 s1, s0  }
0xca: {  	s0 =	sadd.s32 $0x8F2B, s0  }
0xcb: {  	[sflag:s0] =	ssyncadd.remote.s32 $0x1  }
0xcc: {  	_ =	sfence.sel $0xFFFF  }
0xcd: {  	[dreg:$0x0] =	wrdreg $0xFFFFFFFF;
	(pc) =	sbr.abs _section_cstart, $3  }
0xce: {  	[dreg:$0x1] =	wrdreg $0xFFFFFFFF  }
0xcf: {  	_ =	task.clear_ibuf [dreg:s22], $0x2FFFF;
	_ =	strace $0x9FFFFFFF  }
0xd0: {  	(tm) =	ssettm $0x7FFFFFFF  }
0xd1: {  	_ =	shalt  }
tec
execute0_lowered:
.L_overlay_start_1:
0x0: {  	(tag) =	ssettag $0x1  }
0x1: {  	s4 =	rddreg [dreg:$0x0]  }
0x2: {  	s0 =	rddreg [dreg:$0x1];
	s2 =	simm.s32 $0x0;
	s3 =	srdreg.scid  }
0x3: {  	s1 =	stileid.u32;
	s12 =	simm.s32 $0x5000;
	s13 =	simm.s32 $0x1  }
0x4: {  	s14 =	simm.s32 $0x2;
	s15 =	simm.s32 $0x0;
	[smem:$0x7FF] =	sst s2  }
0x5: {  	s6 =	sand.u32 $0x1, s3;
	s25 =	sshll.u32 s1, $0x1;
	s9 =	smul.u32 $0x32, s1  }
0x6: {  	s3 =	sadd.s32 $0x1B8000, s4;
	s10 =	sadd.s32 $0x365C00, s4;
	s29 =	smul.u32 $0x19000, s1  }
0x7: {  	_ =	strace $0x8000004A;
	s5 =	sor.u32 s6, s25;
	s11 =	smul.u32 $0x19, s6  }
0x8: {  	s8 =	ssub.s32 $0x2, s6;
	s30 =	smul.u32 $0xC800, s6;
	s7 =	sshll.u32 s5, $0x9  }
0x9: {  	s5 =	smul.u32 $0x64000, s5;
	s26 =	sshrl.u32 s8, $0x1;
	s31 =	sadd.s32 s29, s10  }
0xa: {  	s7 =	sadd.s32 s7, s4;
	s8 =	ssub.s32 s8, s26;
	s28 =	sadd.s32 s11, s9  }
0xb: {  	s9 =	simm.s32 $0x3;
	s11 =	simm.s32 $0x1000;
	s4 =	sadd.s32 $0x1B4000, s7  }
0xc: {  	s5 =	sshrl.u32 s5, $0x3;
	s7 =	sshll.u32 s28, $0xB;
	s6 =	smax.u32 s8, $0x1  }
0xd: {  	s8 =	sadd.s32 s30, s31;
	s5 =	sadd.s32 s10, s5;
	s7 =	sadd.s32 s10, s7  }
0xe: {  	s10 =	simm.s32 $0x80;
	s5 =	sadd.s32 $0xC000, s5;
	s7 =	sadd.s32 $0x800, s7  }
.LBB2_1:
0xf: {  	[tilespmem:s2], [sflag:$0x3] =	stream.linear.gather [hbm4b:s4+s2], $0x1000, $0x38;
	[tilespmem:$0x9000] =	vst v63  }
0x10: {  	_ =	swait.ge [sflag:s9], $0x1000  }
0x11: {  	[sflag:s9] =	ssyncset.done $0x0  }
0x12: {  	[sflag:s9] =	ssyncadd.s32 $0xFFFFF000  }
0x13: {  	[tilespmem:s11], [sflag:$0x1] =	stream.indirect.gather [hbm4b:s3+s10], $0x80, s2, s10, $0xb8;
	[tilespmem:$0x9000] =	vst v63  }
0x14: {  	s16 =	simm.s32 $0x80  }
0x15: {  	[tilespmem:s12], [sflag:$0x2] =	stream.indirect.gather [hbm4b:s3+s10], $0x80, s16, s10, $0xb8;
	[tilespmem:$0x9000] =	vst v63  }
0x16: {  	_ =	swait.ge [sflag:s13], $0x4000  }
0x17: {  	[sflag:s13] =	ssyncset.done $0x0  }
0x18: {  	s29 =	sadd.s32 $0x0, s8;
	[sflag:s13] =	ssyncadd.s32 $0xFFFFC000  }
0x19: {  	[hbm4b:s29+s2] =	stream.linear.scatter [tilespmem:s11], [sflag:$0x3], $0x4000, $0x38;
	[tilespmem:$0x9000] =	vst v63  }
0x1a: {  	_ =	swait.ge [sflag:s9], $0x4000  }
0x1b: {  	[sflag:s9] =	ssyncset.done $0x0  }
0x1c: {  	s30 =	simm.s32 $0x100;
	[sflag:s9] =	ssyncadd.s32 $0xFFFFC000  }
0x1d: {  	[tilespmem:s11], [sflag:$0x1] =	stream.indirect.gather [hbm4b:s3+s10], $0x80, s30, s10, $0xb8;
	[tilespmem:$0x9000] =	vst v63  }
0x1e: {  	_ =	swait.ge [sflag:s14], $0x4000  }
0x1f: {  	[sflag:s14] =	ssyncset.done $0x0  }
0x20: {  	s31 =	sadd.s32 $0x0, s7;
	[sflag:s14] =	ssyncadd.s32 $0xFFFFC000  }
0x21: {  	[hbm4b:s31+s2] =	stream.linear.scatter [tilespmem:s12], [sflag:$0x3], $0x4000, $0x38;
	[tilespmem:$0x9000] =	vst v63  }
0x22: {  	s18 =	simm.s32 $0x2000;
	_ =	swait.ge [sflag:s9], $0x4000  }
0x23: {  	s17 =	simm.s32 $0x200;
	s16 =	simm.s32 $0x1000;
	[sflag:s9] =	ssyncset.done $0x0  }
.LBB2_2:
0x24: {  	p0 =	sne.s32 s18, $0xB000;
	s19 =	sadd.s32 $0xFFFFFF80, s17;
	[sflag:s9] =	ssyncadd.s32 $0xFFFFC000  }
0x25: {  	[tilespmem:s12], [sflag:$0x2] =	stream.indirect.gather [hbm4b:s3+s10], $0x80, s19, s10, $0xb8;
	[tilespmem:$0x9000] =	vst v63  }
0x26: {  	s19 =	smov.u32 s18;
	s18 =	sadd.s32 $0x1000, s18;
	_ =	swait.ge [sflag:s13], $0x4000  }
0x27: {  	[sflag:s13] =	ssyncset.done $0x0  }
0x28: {  	s20 =	sadd.s32 s16, s8;
	[sflag:s13] =	ssyncadd.s32 $0xFFFFC000  }
0x29: {  	[hbm4b:s20+s2] =	stream.linear.scatter [tilespmem:s11], [sflag:$0x3], $0x4000, $0x38;
	[tilespmem:$0x9000] =	vst v63  }
0x2a: {  	_ =	swait.ge [sflag:s9], $0x4000  }
0x2b: {  	[sflag:s9] =	ssyncset.done $0x0  }
0x2c: {  	[sflag:s9] =	ssyncadd.s32 $0xFFFFC000  }
0x2d: {  	[tilespmem:s11], [sflag:$0x1] =	stream.indirect.gather [hbm4b:s3+s10], $0x80, s17, s10, $0xb8;
	[tilespmem:$0x9000] =	vst v63  }
0x2e: {  	_ =	swait.ge [sflag:s14], $0x4000  }
.Ltmp0:
0x2f: {  	[sflag:s14] =	ssyncset.done $0x0;
	(pc) =	sbr.rel @p0 .LBB2_2-.Ltmp0, $4  }
0x30: {  	s20 =	sadd.s32 s16, s7;
	s16 =	smov.u32 s19;
	[sflag:s14] =	ssyncadd.s32 $0xFFFFC000  }
0x31: {  	[hbm4b:s20+s2] =	stream.linear.scatter [tilespmem:s12], [sflag:$0x3], $0x4000, $0x38;
	[tilespmem:$0x9000] =	vst v63  }
0x32: {  	_ =	swait.ge [sflag:s9], $0x4000  }
0x33: {  	s17 =	sadd.s32 $0x100, s17;
	[sflag:s9] =	ssyncset.done $0x0  }
0x34: {  	s18 =	sadd.s32 $0xFFFFFF80, s17;
	[sflag:s9] =	ssyncadd.s32 $0xFFFFC000  }
0x35: {  	[tilespmem:s12], [sflag:$0x2] =	stream.indirect.gather [hbm4b:s3+s10], $0x80, s18, s10, $0xb8;
	[tilespmem:$0x9000] =	vst v63  }
0x36: {  	_ =	swait.ge [sflag:s13], $0x4000  }
0x37: {  	[sflag:s13] =	ssyncset.done $0x0  }
0x38: {  	s30 =	sadd.s32 s16, s8;
	[sflag:s13] =	ssyncadd.s32 $0xFFFFC000  }
0x39: {  	[hbm4b:s30+s2] =	stream.linear.scatter [tilespmem:s11], [sflag:$0x3], $0x4000, $0x38;
	[tilespmem:$0x9000] =	vst v63  }
0x3a: {  	_ =	swait.ge [sflag:s9], $0x4000  }
0x3b: {  	[sflag:s9] =	ssyncset.done $0x0  }
0x3c: {  	[sflag:s9] =	ssyncadd.s32 $0xFFFFC000  }
0x3d: {  	[tilespmem:s11], [sflag:$0x1] =	stream.indirect.gather [hbm4b:s3+s10], $0x80, s17, s10, $0xb8;
	[tilespmem:$0x9000] =	vst v63  }
0x3e: {  	_ =	swait.ge [sflag:s14], $0x4000  }
0x3f: {  	[sflag:s14] =	ssyncset.done $0x0  }
0x40: {  	s31 =	sadd.s32 s16, s7;
	[sflag:s14] =	ssyncadd.s32 $0xFFFFC000  }
0x41: {  	[hbm4b:s31+s2] =	stream.linear.scatter [tilespmem:s12], [sflag:$0x3], $0x4000, $0x38;
	[tilespmem:$0x9000] =	vst v63  }
0x42: {  	_ =	swait.ge [sflag:s9], $0x4000  }
0x43: {  	[sflag:s9] =	ssyncset.done $0x0  }
0x44: {  	[sflag:s9] =	ssyncadd.s32 $0xFFFFC000  }
0x45: {  	s15 =	sadd.s32 $0x1, s15;
	_ =	swait.ge [sflag:s13], $0x4000  }
0x46: {  	p0 =	sne.s32 s15, s6;
	[sflag:s13] =	ssyncset.done $0x0  }
.Ltmp1:
0x47: {  	[sflag:s13] =	ssyncadd.s32 $0xFFFFC000;
	(pc) =	sbr.rel @p0 .LBB2_1-.Ltmp1, $4  }
0x48: {  	[hbm4b:s5+s2] =	stream.linear.scatter [tilespmem:s11], [sflag:$0x3], $0x4000, $0x38;
	[tilespmem:$0x9000] =	vst v63  }
0x49: {  	_ =	swait.ge [sflag:s9], $0x4000  }
0x4a: {  	[sflag:s9] =	ssyncset.done $0x0  }
0x4b: {  	[sflag:s9] =	ssyncadd.s32 $0xFFFFC000  }
0x4c: {  	_ =	sfence.sel $0x180000  }
0x4d: {  	[bflag:$0x0] =	sbarrier.arrive $0xFFFF  }
0x4e: {  	p0 =	sne.s32 s1, $0x0;
	_ =	strace $0x9000004A  }
0x4f: {  	s0 =	sadd.s32 @!p0 $0x100000, s0;
	[bflag:$0x2] =	sbarrier.arrive $0xFFFF  }
0x50: {  	[sflag:s0] =	ssyncadd.tile.s32 @!p0 $0x1;
	_ =	shalt  }
.Lfunc_end2:
_tile_overlayer_lowered:
.L_overlay_start_2:
0x51: {  	(tag) =	ssettag $0x2  }
0x52: {  	s0 =	rddreg [dreg:$0x0];
	s2 =	stileid.u32  }
0x53: {  	s1 =	rddreg [dreg:$0x1];
	p0 =	sne.s32 s2, $0x0  }
0x54: {  	s3 =	rddreg [dreg:$0x2];
	[bflag:$0x3] =	sbarrier.arrive $0xFFFF;
	s2 =	simm.s32 @!p0 $0x1C03  }
0x55: {  	[timem:s3], [sflag:s2] =	dma.local @!p0 [hbm:s0], s1  }
0x56: {  	s0 =	simm.s32 @!p0 $0x3  }
0x57: {  	_ =	swait.ge @!p0 [sflag:s0], s1  }
0x58: {  	s1 =	ssub.s32 @!p0 $0x0, s1;
	[sflag:s0] =	ssyncset.done @!p0 $0x0  }
0x59: {  	[sflag:s0] =	ssyncadd.s32 @!p0 s1  }
0x5a: {  	[bflag:$0x3] =	sbarrier.arrive $0xFFFF  }
0x5b: {  	_ =	shalt  }

// kernel: kernel.7.cloned.1.call-start
scs
__scs_entry_jumppad:
0x0: {  	(pc) =	sbr.rel $0x88, $3  }
0x1: {  	(tag) =	ssettag $0x0;
	lr =	simm.s32 $0x1  }
0x2: {  	[smem:$0x3F95] =	sst lr;
	_ =	strace $0xD0000000  }
0x3: {  	_ = 	snop  }
0x4: {  	_ = 	snop  }
0x5: {  	_ = 	snop  }
0x6: {  	_ = 	snop  }
0x7: {  	_ = 	snop  }
__scs_overlays_trampoline_lowered:
0x8: {  	[smem:$0x3FA4] =	sst s0  }
0x9: {  	[smem:$0x3FA5] =	sst s1  }
0xa: {  	[smem:$0x3FA6] =	sst s2  }
0xb: {  	[smem:$0x3FA7] =	sst s3  }
0xc: {  	[smem:$0x3FA8] =	sst s4  }
0xd: {  	[smem:$0x3FA9] =	sst s5  }
0xe: {  	[smem:$0x3FAA] =	sst s6  }
0xf: {  	[smem:$0x3FAB] =	sst s7  }
0x10: {  	[smem:$0x3FAC] =	sst s8  }
0x11: {  	[smem:$0x3FAD] =	sst s9;
	s0 =	simm.s32 @!p0 $0x0  }
0x12: {  	s1 =	sld [smem:$0x3F93];
	s0 =	simm.s32 @p0 $0x1  }
0x13: {  	[smem:$0x3FAE] =	sst s0;
	s0 =	simm.s32 @!p1 $0x0  }
0x14: {  	s2 =	sld [smem:$0x3F92];
	s0 =	simm.s32 @p1 $0x1  }
0x15: {  	[smem:$0x3FAF] =	sst s0;
	s0 =	simm.s32 @!p2 $0x0  }
0x16: {  	s3 =	sld [smem:$0x3FDB];
	s0 =	simm.s32 @p2 $0x1  }
0x17: {  	s4 =	simm.s32 $0x1BF5;
	[smem:$0x3FB1] =	sst s0  }
0x18: {  	s0 =	sld [smem:$0x3F94];
	_ =	swait.ge [sflag:s4], $0x0  }
0x19: {  	s7 =	sld [smem:$0x3F95]  }
0x1a: {  	s8 =	sadd.s32 $0xFFFFE003, lr  }
0x1b: {  	s9 =	sadd.s32 $0xFFFFFEF7, lr;
	s5 =	simm.s32 $0xFFFFFFFF;
	p2 =	slt.u32 s8, $0xFFFFF086  }
0x1c: {  	p1 =	slt.u32 s9, $0xF7A;
	s5 =	simm.s32 @!p2 $0x0  }
0x1d: {  	s5 =	simm.s32 @p1 $0x1;
	p0 =	seq.s32 s7, s2  }
0x1e: {  	s7 =	smul.u32 @!p0 $0xF7A, s2;
	p2 =	seq.s32 @!p0 s5, $0x0  }
0x1f: {  	s9 =	smul.u32 $0xF7A, s1;
	s8 =	simm.s32 @!p0 $0x1BF5;
	p2 =	por !p2, p0  }
0x20: {  	[sflag:s8] =	ssyncset.s32 @!p0 $0xFFFFF086;
	s6 =	sadd.s32 @!p0 s3, s7;
	s7 =	simm.s32 @!p0 $0x108  }
0x21: {  	s3 =	sadd.s32 s3, s9;
	s6 =	sadd.s32 @!p0 $0x88, s6;
	s7 =	simm.s32 @p2 $0x1082  }
0x22: {  	[simem:s7], [sflag:s8] =	dma.local @!p0 [hbm:s6], $0xF7A  }
0x23: {  	s9 =	sor.u32 $0xD0000000, s2;
	s6 =	simm.s32 $0x108;
	_ =	swait.ge @!p0 [sflag:s8], $0x0  }
0x24: {  	s3 =	sadd.s32 $0x88, s3;
	s6 =	simm.s32 @!p1 $0x1082;
	[sflag:s4] =	ssyncset.s32 $0xFFFFF086  }
0x25: {  	[simem:s6], [sflag:s4] =	dma.local [hbm:s3], $0xF7A  }
0x26: {  	[smem:$0x3F95] =	sst s1;
	(tag) =	ssettag s2;
	_ =	strace s9  }
0x27: {  	s1 =	sld [smem:$0x3FA5]  }
0x28: {  	s2 =	sld [smem:$0x3FA6]  }
0x29: {  	s4 =	sld [smem:$0x3FA8]  }
0x2a: {  	p0 =	seq.s32 s5, $0x0;
	s5 =	sld [smem:$0x3FA9]  }
0x2b: {  	s6 =	sld [smem:$0x3FAA]  }
0x2c: {  	s7 =	sld [smem:$0x3FAB]  }
0x2d: {  	s3 =	simm.s32 $0x108;
	s8 =	sld [smem:$0x3FAC]  }
0x2e: {  	s3 =	simm.s32 @!p0 $0x1082;
	s9 =	sld [smem:$0x3FAD]  }
0x2f: {  	lr =	sadd.s32 s0, s3;
	s0 =	sld [smem:$0x3FA4]  }
0x30: {  	s3 =	sld [smem:$0x3FA7]  }
0x31: {  	[smem:$0x3FB0] =	sst s10  }
0x32: {  	s10 =	sld [smem:$0x3FAE];
	_ =	sdelay $0x3  }
0x33: {  	p0 =	seq.s32 s10, $0x1;
	s10 =	sld [smem:$0x3FB0];
	_ =	sdelay $0x3  }
0x34: {  	[smem:$0x3FB0] =	sst s10  }
0x35: {  	s10 =	sld [smem:$0x3FAF];
	_ =	sdelay $0x3  }
0x36: {  	p1 =	seq.s32 s10, $0x1;
	s10 =	sld [smem:$0x3FB0];
	_ =	sdelay $0x3  }
0x37: {  	[smem:$0x3FB0] =	sst s10  }
0x38: {  	s10 =	sld [smem:$0x3FB1]  }
0x39: {  	_ = 	snop;
	(pc) =	sbr.ind lr, $3  }
0x3a: {  	_ = 	snop  }
0x3b: {  	_ = 	snop  }
0x3c: {  	p2 =	seq.s32 s10, $0x1;
	s10 =	sld [smem:$0x3FB0]  }
0x3d: {  	_ =	shalt  }
0x3e: {  	_ =	shalt  }
0x3f: {  	_ =	shalt  }
0x40: {  	_ =	shalt  }
0x41: {  	_ =	shalt  }
0x42: {  	_ =	shalt  }
0x43: {  	_ =	shalt  }
0x44: {  	_ =	shalt  }
0x45: {  	_ =	shalt  }
0x46: {  	_ =	shalt  }
0x47: {  	_ =	shalt  }
0x48: {  	_ =	shalt  }
0x49: {  	_ =	shalt  }
0x4a: {  	_ =	shalt  }
0x4b: {  	_ =	shalt  }
0x4c: {  	_ =	shalt  }
0x4d: {  	_ =	shalt  }
0x4e: {  	_ =	shalt  }
0x4f: {  	_ =	shalt  }
0x50: {  	_ =	shalt  }
0x51: {  	_ =	shalt  }
0x52: {  	_ =	shalt  }
0x53: {  	_ =	shalt  }
0x54: {  	_ =	shalt  }
0x55: {  	_ =	shalt  }
0x56: {  	_ =	shalt  }
0x57: {  	_ =	shalt  }
0x58: {  	_ =	shalt  }
0x59: {  	_ =	shalt  }
0x5a: {  	_ =	shalt  }
0x5b: {  	_ =	shalt  }
0x5c: {  	_ =	shalt  }
0x5d: {  	_ =	shalt  }
0x5e: {  	_ =	shalt  }
0x5f: {  	_ =	shalt  }
0x60: {  	_ =	shalt  }
0x61: {  	_ =	shalt  }
0x62: {  	_ =	shalt  }
0x63: {  	_ =	shalt  }
0x64: {  	_ =	shalt  }
0x65: {  	_ =	shalt  }
0x66: {  	_ =	shalt  }
0x67: {  	_ =	shalt  }
0x68: {  	_ =	shalt  }
0x69: {  	_ =	shalt  }
0x6a: {  	_ =	shalt  }
0x6b: {  	_ =	shalt  }
0x6c: {  	_ =	shalt  }
0x6d: {  	_ =	shalt  }
0x6e: {  	_ =	shalt  }
0x6f: {  	_ =	shalt  }
0x70: {  	_ =	shalt  }
0x71: {  	_ =	shalt  }
0x72: {  	_ =	shalt  }
0x73: {  	_ =	shalt  }
0x74: {  	_ =	shalt  }
0x75: {  	_ =	shalt  }
0x76: {  	_ =	shalt  }
0x77: {  	_ =	shalt  }
0x78: {  	_ =	shalt  }
0x79: {  	_ =	shalt  }
0x7a: {  	_ =	shalt  }
0x7b: {  	_ =	shalt  }
0x7c: {  	_ =	shalt  }
0x7d: {  	_ =	shalt  }
0x7e: {  	_ =	shalt  }
0x7f: {  	_ =	shalt  }
0x80: {  	_ =	shalt  }
0x81: {  	_ =	shalt  }
0x82: {  	_ =	shalt  }
0x83: {  	_ =	shalt  }
0x84: {  	_ =	shalt  }
0x85: {  	_ =	shalt  }
0x86: {  	_ =	shalt  }
0x87: {  	_ =	shalt  }
.Lfunc_end0:
.L_simem_size_0:
called_computation_lowered:
.L_overlay_start_0:
0x88: {  	s2 =	sld [smem:$0x3FD9]  }
0x89: {  	s3 =	sld [smem:$0x3FFE];
	_ =	sdelay $0x1  }
0x8a: {  	s1 =	srdreg.scid  }
0x8b: {  	s0 =	sand.u32 $0x1, s1  }
0x8c: {  	s16 =	sshll.u32 s0, $0xA;
	s2 =	sadd.s32 s3, s2  }
0x8d: {  	s2 =	sadd.s32 s2, s16  }
0x8e: {  	[smem:$0x3FBC] =	sst s2  }
0x8f: {  	_ = 	snop  }
0x90: {  	(tm) =	ssettm $0x1  }
0x91: {  	s17 =	sld [smem:$0x3FFB];
	_ =	sdelay $0x3  }
0x92: {  	_ =	strace s17  }
0x93: {  	s2 =	sld [smem:$0x3FFC];
	_ =	sdelay $0x3  }
0x94: {  	_ =	strace s2  }
0x95: {  	s2 =	sld [smem:$0x3FFD];
	_ =	sdelay $0x3  }
0x96: {  	_ =	strace s2  }
0x97: {  	_ =	strace $0x8FFFFFFF  }
0x98: {  	s18 =	sld [smem:$0x3FDB];
	_ =	sdelay $0x1  }
0x99: {  	s19 =	simm.s32 $_scs_section_size  }
0x9a: {  	s4 =	simm.s32 $_size__tile_overlayer_lowered;
	s5 =	simm.s32 $_tile_overlayer_lowered  }
0x9b: {  	s22 =	simm.s32 $0x1BFF;
	s21 =	sshll.u32 s5, $0x1;
	s2 =	sadd.s32 s19, s18  }
0x9c: {  	s6 =	simm.s32 $0x0;
	s20 =	sshll.u32 s4, $0x1;
	s4 =	sadd.s32 s21, s2  }
0x9d: {  	[timem:s6], [sflag:s22] =	dma.local [hbm:s4], s20  }
0x9e: {  	_ =	swait.ge [sflag:s22], s20  }
0x9f: {  	s3 =	ssub.s32 $0x0, s20;
	[sflag:s22] =	ssyncset.done $0x0  }
0xa0: {  	[sflag:s22] =	ssyncadd.s32 s3;
	_ =	sdelay $0x1  }
0xa1: {  	s23 =	simm.s32 $0x1B8B  }
0xa2: {  	_ =	swait.ge [sflag:s23], $0x1  }
0xa3: {  	[sflag:s23] =	ssyncset.done $0x0  }
0xa4: {  	s25 =	simm.s32 $0x1B8E;
	s24 =	sld [smem:$0x3FFE];
	[sflag:s23] =	ssyncadd.s32 $0xFFFFFFFF  }
0xa5: {  	s26 =	simm.s32 $execute0_lowered;
	[smem:$0x3FD2] =	sst s25  }
0xa6: {  	s4 =	sshll.u32 s26, $0x1;
	_ =	strace $0x80000046;
	[dreg:$0x1] =	wrdreg $0xFFFFFFFF  }
0xa7: {  	s28 =	simm.s32 $_size_execute0_lowered;
	s2 =	sadd.s32 s2, s4;
	[dreg:$0x0] =	wrdreg $0x0  }
0xa8: {  	s4 =	sshll.u32 s28, $0x1;
	[dreg:$0x2] =	wrdreg s2  }
0xa9: {  	[dreg:$0x3] =	wrdreg s4  }
0xaa: {  	[dreg:$0x4] =	wrdreg $0xC0  }
0xab: {  	_ =	task [dreg:s6], $0x5FFFF  }
0xac: {  	[dreg:$0x1] =	wrdreg $0xFFFFFFFF  }
0xad: {  	[dreg:$0x0] =	wrdreg $0x60  }
0xae: {  	[dreg:$0x2] =	wrdreg s24  }
0xaf: {  	[dreg:$0x3] =	wrdreg $0x9  }
0xb0: {  	_ =	task.clear_ibuf [dreg:s6], $0x4FFFF;
	_ =	strace $0x90000046  }
0xb1: {  	s29 =	simm.s32 $0x9;
	_ =	strace $0x80000048  }
0xb2: {  	_ =	swait.ge [sflag:s29], $0x1  }
0xb3: {  	[sflag:s29] =	ssyncadd.s32 $0xFFFFFFFF  }
0xb4: {  	_ =	strace $0x90000048  }
0xb5: {  	_ =	sfence  }
0xb6: {  	s30 =	sld [smem:$0x0];
	_ =	sdelay $0x2  }
0xb7: {  	s31 =	sshll.u32 s1, $0xD;
	s1 =	sshrl.u32 s1, $0x2  }
0xb8: {  	s3 =	sand.u32 $0x4000, s31;
	s1 =	sadd.s32 s1, s30  }
0xb9: {  	s0 =	sor.u32 s3, s0;
	s1 =	sshll.u32 s1, $0x11  }
0xba: {  	s0 =	sor.u32 s1, s0  }
0xbb: {  	s0 =	sadd.s32 $0x8F2B, s0  }
0xbc: {  	[sflag:s0] =	ssyncadd.remote.s32 $0x1  }
0xbd: {  	_ =	sfence.sel $0xFFFF  }
0xbe: {  	[dreg:$0x0] =	wrdreg $0xFFFFFFFF;
	(pc) =	sbr.abs _section_cstart, $3  }
0xbf: {  	[dreg:$0x1] =	wrdreg $0xFFFFFFFF  }
0xc0: {  	_ =	task.clear_ibuf [dreg:s6], $0x2FFFF;
	_ =	strace $0x9FFFFFFF  }
0xc1: {  	(tm) =	ssettm $0x7FFFFFFF  }
tec
execute0_lowered:
.L_overlay_start_1:
0x0: {  	(tag) =	ssettag $0x1  }
0x1: {  	s4 =	rddreg [dreg:$0x0]  }
0x2: {  	s0 =	rddreg [dreg:$0x1];
	s2 =	simm.s32 $0x0;
	s3 =	srdreg.scid  }
0x3: {  	s1 =	stileid.u32;
	s12 =	simm.s32 $0x5000;
	s13 =	simm.s32 $0x1  }
0x4: {  	s14 =	simm.s32 $0x2;
	s15 =	simm.s32 $0x0;
	[smem:$0x7FF] =	sst s2  }
0x5: {  	s6 =	sand.u32 $0x1, s3;
	s25 =	sshll.u32 s1, $0x1;
	s9 =	smul.u32 $0x32, s1  }
0x6: {  	s3 =	sadd.s32 $0x1B8000, s4;
	s10 =	sadd.s32 $0x2400, s4;
	s29 =	smul.u32 $0x19000, s1  }
0x7: {  	_ =	strace $0x80000047;
	s5 =	sor.u32 s6, s25;
	s11 =	smul.u32 $0x19, s6  }
0x8: {  	s8 =	ssub.s32 $0x2, s6;
	s30 =	smul.u32 $0xC800, s6;
	s7 =	sshll.u32 s5, $0x9  }
0x9: {  	s5 =	smul.u32 $0x64000, s5;
	s26 =	sshrl.u32 s8, $0x1;
	s31 =	sadd.s32 s29, s10  }
0xa: {  	s7 =	sadd.s32 s7, s4;
	s8 =	ssub.s32 s8, s26;
	s28 =	sadd.s32 s11, s9  }
0xb: {  	s9 =	simm.s32 $0x3;
	s11 =	simm.s32 $0x1000;
	s4 =	sadd.s32 $0x1B0000, s7  }
0xc: {  	s5 =	sshrl.u32 s5, $0x3;
	s7 =	sshll.u32 s28, $0xB;
	s6 =	smax.u32 s8, $0x1  }
0xd: {  	s8 =	sadd.s32 s30, s31;
	s5 =	sadd.s32 s10, s5;
	s7 =	sadd.s32 s10, s7  }
0xe: {  	s10 =	simm.s32 $0x80;
	s5 =	sadd.s32 $0xC000, s5;
	s7 =	sadd.s32 $0x800, s7  }
.LBB2_1:
0xf: {  	[tilespmem:s2], [sflag:$0x3] =	stream.linear.gather [hbm4b:s4+s2], $0x1000, $0x38;
	[tilespmem:$0x9000] =	vst v63  }
0x10: {  	_ =	swait.ge [sflag:s9], $0x1000  }
0x11: {  	[sflag:s9] =	ssyncset.done $0x0  }
0x12: {  	[sflag:s9] =	ssyncadd.s32 $0xFFFFF000  }
0x13: {  	[tilespmem:s11], [sflag:$0x1] =	stream.indirect.gather [hbm4b:s3+s10], $0x80, s2, s10, $0xb8;
	[tilespmem:$0x9000] =	vst v63  }
0x14: {  	s16 =	simm.s32 $0x80  }
0x15: {  	[tilespmem:s12], [sflag:$0x2] =	stream.indirect.gather [hbm4b:s3+s10], $0x80, s16, s10, $0xb8;
	[tilespmem:$0x9000] =	vst v63  }
0x16: {  	_ =	swait.ge [sflag:s13], $0x4000  }
0x17: {  	[sflag:s13] =	ssyncset.done $0x0  }
0x18: {  	s29 =	sadd.s32 $0x0, s8;
	[sflag:s13] =	ssyncadd.s32 $0xFFFFC000  }
0x19: {  	[hbm4b:s29+s2] =	stream.linear.scatter [tilespmem:s11], [sflag:$0x3], $0x4000, $0x38;
	[tilespmem:$0x9000] =	vst v63  }
0x1a: {  	_ =	swait.ge [sflag:s9], $0x4000  }
0x1b: {  	[sflag:s9] =	ssyncset.done $0x0  }
0x1c: {  	s30 =	simm.s32 $0x100;
	[sflag:s9] =	ssyncadd.s32 $0xFFFFC000  }
0x1d: {  	[tilespmem:s11], [sflag:$0x1] =	stream.indirect.gather [hbm4b:s3+s10], $0x80, s30, s10, $0xb8;
	[tilespmem:$0x9000] =	vst v63  }
0x1e: {  	_ =	swait.ge [sflag:s14], $0x4000  }
0x1f: {  	[sflag:s14] =	ssyncset.done $0x0  }
0x20: {  	s31 =	sadd.s32 $0x0, s7;
	[sflag:s14] =	ssyncadd.s32 $0xFFFFC000  }
0x21: {  	[hbm4b:s31+s2] =	stream.linear.scatter [tilespmem:s12], [sflag:$0x3], $0x4000, $0x38;
	[tilespmem:$0x9000] =	vst v63  }
0x22: {  	s18 =	simm.s32 $0x2000;
	_ =	swait.ge [sflag:s9], $0x4000  }
0x23: {  	s17 =	simm.s32 $0x200;
	s16 =	simm.s32 $0x1000;
	[sflag:s9] =	ssyncset.done $0x0  }
.LBB2_2:
0x24: {  	p0 =	sne.s32 s18, $0xB000;
	s19 =	sadd.s32 $0xFFFFFF80, s17;
	[sflag:s9] =	ssyncadd.s32 $0xFFFFC000  }
0x25: {  	[tilespmem:s12], [sflag:$0x2] =	stream.indirect.gather [hbm4b:s3+s10], $0x80, s19, s10, $0xb8;
	[tilespmem:$0x9000] =	vst v63  }
0x26: {  	s19 =	smov.u32 s18;
	s18 =	sadd.s32 $0x1000, s18;
	_ =	swait.ge [sflag:s13], $0x4000  }
0x27: {  	[sflag:s13] =	ssyncset.done $0x0  }
0x28: {  	s20 =	sadd.s32 s16, s8;
	[sflag:s13] =	ssyncadd.s32 $0xFFFFC000  }
0x29: {  	[hbm4b:s20+s2] =	stream.linear.scatter [tilespmem:s11], [sflag:$0x3], $0x4000, $0x38;
	[tilespmem:$0x9000] =	vst v63  }
0x2a: {  	_ =	swait.ge [sflag:s9], $0x4000  }
0x2b: {  	[sflag:s9] =	ssyncset.done $0x0  }
0x2c: {  	[sflag:s9] =	ssyncadd.s32 $0xFFFFC000  }
0x2d: {  	[tilespmem:s11], [sflag:$0x1] =	stream.indirect.gather [hbm4b:s3+s10], $0x80, s17, s10, $0xb8;
	[tilespmem:$0x9000] =	vst v63  }
0x2e: {  	_ =	swait.ge [sflag:s14], $0x4000  }
.Ltmp0:
0x2f: {  	[sflag:s14] =	ssyncset.done $0x0;
	(pc) =	sbr.rel @p0 .LBB2_2-.Ltmp0, $4  }
0x30: {  	s20 =	sadd.s32 s16, s7;
	s16 =	smov.u32 s19;
	[sflag:s14] =	ssyncadd.s32 $0xFFFFC000  }
0x31: {  	[hbm4b:s20+s2] =	stream.linear.scatter [tilespmem:s12], [sflag:$0x3], $0x4000, $0x38;
	[tilespmem:$0x9000] =	vst v63  }
0x32: {  	_ =	swait.ge [sflag:s9], $0x4000  }
0x33: {  	s17 =	sadd.s32 $0x100, s17;
	[sflag:s9] =	ssyncset.done $0x0  }
0x34: {  	s18 =	sadd.s32 $0xFFFFFF80, s17;
	[sflag:s9] =	ssyncadd.s32 $0xFFFFC000  }
0x35: {  	[tilespmem:s12], [sflag:$0x2] =	stream.indirect.gather [hbm4b:s3+s10], $0x80, s18, s10, $0xb8;
	[tilespmem:$0x9000] =	vst v63  }
0x36: {  	_ =	swait.ge [sflag:s13], $0x4000  }
0x37: {  	[sflag:s13] =	ssyncset.done $0x0  }
0x38: {  	s30 =	sadd.s32 s16, s8;
	[sflag:s13] =	ssyncadd.s32 $0xFFFFC000  }
0x39: {  	[hbm4b:s30+s2] =	stream.linear.scatter [tilespmem:s11], [sflag:$0x3], $0x4000, $0x38;
	[tilespmem:$0x9000] =	vst v63  }
0x3a: {  	_ =	swait.ge [sflag:s9], $0x4000  }
0x3b: {  	[sflag:s9] =	ssyncset.done $0x0  }
0x3c: {  	[sflag:s9] =	ssyncadd.s32 $0xFFFFC000  }
0x3d: {  	[tilespmem:s11], [sflag:$0x1] =	stream.indirect.gather [hbm4b:s3+s10], $0x80, s17, s10, $0xb8;
	[tilespmem:$0x9000] =	vst v63  }
0x3e: {  	_ =	swait.ge [sflag:s14], $0x4000  }
0x3f: {  	[sflag:s14] =	ssyncset.done $0x0  }
0x40: {  	s31 =	sadd.s32 s16, s7;
	[sflag:s14] =	ssyncadd.s32 $0xFFFFC000  }
0x41: {  	[hbm4b:s31+s2] =	stream.linear.scatter [tilespmem:s12], [sflag:$0x3], $0x4000, $0x38;
	[tilespmem:$0x9000] =	vst v63  }
0x42: {  	_ =	swait.ge [sflag:s9], $0x4000  }
0x43: {  	[sflag:s9] =	ssyncset.done $0x0  }
0x44: {  	[sflag:s9] =	ssyncadd.s32 $0xFFFFC000  }
0x45: {  	s15 =	sadd.s32 $0x1, s15;
	_ =	swait.ge [sflag:s13], $0x4000  }
0x46: {  	p0 =	sne.s32 s15, s6;
	[sflag:s13] =	ssyncset.done $0x0  }
.Ltmp1:
0x47: {  	[sflag:s13] =	ssyncadd.s32 $0xFFFFC000;
	(pc) =	sbr.rel @p0 .LBB2_1-.Ltmp1, $4  }
0x48: {  	[hbm4b:s5+s2] =	stream.linear.scatter [tilespmem:s11], [sflag:$0x3], $0x4000, $0x38;
	[tilespmem:$0x9000] =	vst v63  }
0x49: {  	_ =	swait.ge [sflag:s9], $0x4000  }
0x4a: {  	[sflag:s9] =	ssyncset.done $0x0  }
0x4b: {  	[sflag:s9] =	ssyncadd.s32 $0xFFFFC000  }
0x4c: {  	_ =	sfence.sel $0x180000  }
0x4d: {  	[bflag:$0x0] =	sbarrier.arrive $0xFFFF  }
0x4e: {  	p0 =	sne.s32 s1, $0x0;
	_ =	strace $0x90000047  }
0x4f: {  	s0 =	sadd.s32 @!p0 $0x100000, s0;
	[bflag:$0x2] =	sbarrier.arrive $0xFFFF  }
0x50: {  	[sflag:s0] =	ssyncadd.tile.s32 @!p0 $0x1;
	_ =	shalt  }
.Lfunc_end2:
_tile_overlayer_lowered:
.L_overlay_start_2:
0x51: {  	(tag) =	ssettag $0x2  }
0x52: {  	s0 =	rddreg [dreg:$0x0];
	s2 =	stileid.u32  }
0x53: {  	s1 =	rddreg [dreg:$0x1];
	p0 =	sne.s32 s2, $0x0  }
0x54: {  	s3 =	rddreg [dreg:$0x2];
	[bflag:$0x3] =	sbarrier.arrive $0xFFFF;
	s2 =	simm.s32 @!p0 $0x1C03  }
0x55: {  	[timem:s3], [sflag:s2] =	dma.local @!p0 [hbm:s0], s1  }
0x56: {  	s0 =	simm.s32 @!p0 $0x3  }
0x57: {  	_ =	swait.ge @!p0 [sflag:s0], s1  }
0x58: {  	s1 =	ssub.s32 @!p0 $0x0, s1;
	[sflag:s0] =	ssyncset.done @!p0 $0x0  }
0x59: {  	[sflag:s0] =	ssyncadd.s32 @!p0 s1  }
0x5a: {  	[bflag:$0x3] =	sbarrier.arrive $0xFFFF  }
0x5b: {  	_ =	shalt  }

</sc_bundles>
